<compile_context>
chip_gen: v7x
topology: tpu7x:2x2x1
jax: 0.10.2.dev20260603
libtpu: 0.0.44.dev20260713+nightly
codegen_flags: <defaults>
</compile_context>

<pallas_src>
import functools

import jax
import jax.numpy as jnp
from jax import lax
from jax.experimental import pallas as pl
from jax.experimental.pallas import tpu as pltpu
from jax.experimental.pallas import tpu_sc as plsc

B = 16384
D = 128

NC = 2
NS = 16
NW = NC * NS

CHUNK = 128
MAX_NBUF = 7

NSLICE = 1
BS = B // NSLICE
SROWS = 2 * BS
ROWS_PER_W = SROWS // NW
N_CHUNKS = ROWS_PER_W // CHUNK
NBUF = min(MAX_NBUF, N_CHUNKS)


def _sc_gather(table, idx_grp):
    mesh = plsc.VectorSubcoreMesh(core_axis_name="c", subcore_axis_name="s")

    @functools.partial(
        pl.kernel,
        mesh=mesh,
        out_type=jax.ShapeDtypeStruct((SROWS, D), jnp.float32),
        scratch_types=[
            pltpu.VMEM((N_CHUNKS, CHUNK), jnp.int32),
            pltpu.VMEM((NBUF, CHUNK, D), jnp.float32),
        ]
        + [pltpu.SemaphoreType.DMA] * (2 * NBUF),
    )
    def gather_kernel(table_hbm, idx_hbm, out_hbm, idx_v, rows_v, *sems):
        gsems, wsems = sems[:NBUF], sems[NBUF:]
        wid = lax.axis_index("s") * NC + lax.axis_index("c")
        base = wid * ROWS_PER_W
        gcopy = [None] * N_CHUNKS
        wcopy = [None] * N_CHUNKS
        pltpu.sync_copy(idx_hbm.at[wid], idx_v)
        for c in range(NBUF):
            gcopy[c] = pltpu.async_copy(
                table_hbm.at[idx_v.at[c]], rows_v.at[c], gsems[c])
        for c in range(N_CHUNKS):
            buf = c % NBUF
            gcopy[c].wait()
            wcopy[c] = pltpu.async_copy(
                rows_v.at[buf],
                out_hbm.at[pl.ds(base + c * CHUNK, CHUNK)],
                wsems[buf])
            nxt = c + NBUF
            if nxt < N_CHUNKS:
                wcopy[c].wait()
                gcopy[nxt] = pltpu.async_copy(
                    table_hbm.at[idx_v.at[nxt]], rows_v.at[buf], gsems[buf])
        for c in range(max(0, N_CHUNKS - NBUF), N_CHUNKS):
            wcopy[c].wait()

    return gather_kernel(table, idx_grp)


BLK = 8192


def _tc_linear(g, W, bias):

    def body(g0_ref, g1_ref, w_ref, b_ref, o_ref):
        dn = (((1,), (1,)), ((), ()))
        acc = lax.dot_general(g0_ref[...], w_ref[:, :D], dn,
                              preferred_element_type=jnp.float32)
        acc = acc + lax.dot_general(g1_ref[...], w_ref[:, D:], dn,
                                    preferred_element_type=jnp.float32)
        o_ref[...] = acc + b_ref[...]

    nblk = BS // BLK
    return pl.pallas_call(
        body,
        grid=(nblk,),
        in_specs=[
            pl.BlockSpec((BLK, D), lambda i: (i, 0)),
            pl.BlockSpec((BLK, D), lambda i: (i + nblk, 0)),
            pl.BlockSpec((D, 2 * D), lambda i: (0, 0)),
            pl.BlockSpec((1, D), lambda i: (0, 0)),
        ],
        out_specs=pl.BlockSpec((BLK, D), lambda i: (i, 0)),
        out_shape=jax.ShapeDtypeStruct((BS, D), jnp.float32),
    )(g, g, W, bias)


def kernel(x, table, W, b):
    xi = x.astype(jnp.int32)
    bias = b.reshape(1, D)
    outs = []
    for s in range(NSLICE):
        idx_grp = (xi[s * BS:(s + 1) * BS]
                   .T.reshape(NW, N_CHUNKS, CHUNK))
        g = _sc_gather(table, idx_grp)
        outs.append(_tc_linear(g, W, bias))
    if NSLICE == 1:
        return outs[0]
    return jnp.concatenate(outs, axis=0)

# --- scband reference (transcript-rebuilt; emitter-appended) ---
"""Pipeline reference for scband-commander-embedding-45921790329199 (READ-ONLY COPY).

The authoritative reference and input builder live on the scoring server;
editing this copy changes nothing except your own understanding.
"""

import jax, jax.numpy as jnp
import numpy as np

NUM_COMMANDERS = 100000
EMBED_DIM = 128
BATCH = 16384


def setup_inputs(seed: int = 0) -> dict:
    key = jax.random.key(seed)
    k_idx, k_tab, k_w, k_b = jax.random.split(key, 4)
    x = jax.random.randint(k_idx, (BATCH, 2), 0, NUM_COMMANDERS, dtype=jnp.int64 if jax.config.jax_enable_x64 else jnp.int32)
    table = jax.random.normal(k_tab, (NUM_COMMANDERS, EMBED_DIM), dtype=jnp.float32)
    # nn.Linear(2*embed_dim, embed_dim): weight [out, in], bias [out]
    bound = 1.0 / np.sqrt(2 * EMBED_DIM)
    W = jax.random.uniform(k_w, (EMBED_DIM, 2 * EMBED_DIM), minval=-bound, maxval=bound, dtype=jnp.float32)
    b = jax.random.uniform(k_b, (EMBED_DIM,), minval=-bound, maxval=bound, dtype=jnp.float32)
    return {"x": x, "table": table, "W": W, "b": b}


def reference(x, table, W, b):
    # Embedding lookup: (B, 2) -> (B, 2, D)
    embedded = jnp.take(table, x, axis=0)
    # Concatenate the pair: (B, 2D)
    combined = jnp.concatenate([embedded[:, 0], embedded[:, 1]], axis=-1)
    # Linear combine: (B, D). Dropout is identity in eval mode.
    output = combined @ W.T + b
    return output

if __name__ == "__main__":
    import jax
    _d = setup_inputs()
    print(jax.jit(kernel)(*tuple(_d.values())))

</pallas_src>

<mosaic_0001>
#map = affine_map<(d0, d1) -> (0, 0)>
#map1 = affine_map<(d0, d1) -> (0, 0, 0)>
module attributes {stable_mosaic.version = 14 : i64} {
  func.func @gather_kernel(%arg0: i32, %arg1: i32, %arg2: memref<100000x128xf32, #tpu.memory_space<hbm>>, %arg3: memref<32x8x128xi32, #tpu.memory_space<hbm>>, %arg4: memref<32768x128xf32, #tpu.memory_space<hbm>>, %arg5: memref<8x128xi32, #tpu.memory_space<vmem>>, %arg6: memref<7x128x128xf32, #tpu.memory_space<vmem>>, %arg7: memref<!tpu.dma_semaphore, #tpu.memory_space<semaphore_mem>>, %arg8: memref<!tpu.dma_semaphore, #tpu.memory_space<semaphore_mem>>, %arg9: memref<!tpu.dma_semaphore, #tpu.memory_space<semaphore_mem>>, %arg10: memref<!tpu.dma_semaphore, #tpu.memory_space<semaphore_mem>>, %arg11: memref<!tpu.dma_semaphore, #tpu.memory_space<semaphore_mem>>, %arg12: memref<!tpu.dma_semaphore, #tpu.memory_space<semaphore_mem>>, %arg13: memref<!tpu.dma_semaphore, #tpu.memory_space<semaphore_mem>>, %arg14: memref<!tpu.dma_semaphore, #tpu.memory_space<semaphore_mem>>, %arg15: memref<!tpu.dma_semaphore, #tpu.memory_space<semaphore_mem>>, %arg16: memref<!tpu.dma_semaphore, #tpu.memory_space<semaphore_mem>>, %arg17: memref<!tpu.dma_semaphore, #tpu.memory_space<semaphore_mem>>, %arg18: memref<!tpu.dma_semaphore, #tpu.memory_space<semaphore_mem>>, %arg19: memref<!tpu.dma_semaphore, #tpu.memory_space<semaphore_mem>>, %arg20: memref<!tpu.dma_semaphore, #tpu.memory_space<semaphore_mem>>) attributes {dimension_semantics = [#tpu.dimension_semantics<core_parallel>, #tpu.dimension_semantics<subcore_parallel>], iteration_bounds = array<i64: 2, 16>, scalar_prefetch = 0 : i64, scratch_operands = 16 : i64, tpu.core_type = #tpu.core_type<sc_vector_subcore>, window_params = [{transform_indices = #map}, {transform_indices = #map1}, {transform_indices = #map}]} {
    %mul3A = arith.constant 2 : i32
    %mul3A_0 = arith.muli %arg1, %mul3A : i32
    %add3A = arith.addi %mul3A_0, %arg0 : i32
    %mul3A_1 = arith.constant 1024 : i32
    %mul3A_2 = arith.muli %add3A, %mul3A_1 : i32
    "tpu.region"() ({
      %run_scoped3A = tpu.sem_alloc : memref<!tpu.dma_semaphore, #tpu.memory_space<semaphore_mem>>
      %dma_start3A_417 = arith.constant 0 : i32
      %dma_start3A_418 = arith.constant 0 : i32
      %dma_start3A_419 = tpu.memref_slice %arg3[%add3A, %dma_start3A_417, %dma_start3A_418] : memref<32x8x128xi32, #tpu.memory_space<hbm>> -> memref<1x8x128xi32, #tpu.memory_space<hbm>>
      %dma_start3A_420 = tpu.memref_squeeze %dma_start3A_419 : memref<1x8x128xi32, #tpu.memory_space<hbm>> -> memref<8x128xi32, #tpu.memory_space<hbm>>
      %dma_start3A_421 = arith.constant 0 : i32
      %dma_start3A_422 = arith.constant 0 : i32
      %dma_start3A_423 = tpu.memref_slice %arg3[%add3A, %dma_start3A_421, %dma_start3A_422] : memref<32x8x128xi32, #tpu.memory_space<hbm>> -> memref<1x8x128xi32, #tpu.memory_space<hbm>>
      %dma_start3A_424 = tpu.memref_squeeze %dma_start3A_423 : memref<1x8x128xi32, #tpu.memory_space<hbm>> -> memref<8x128xi32, #tpu.memory_space<hbm>>
      tpu.enqueue_dma source(%dma_start3A_424 : memref<8x128xi32, #tpu.memory_space<hbm>>) target(%arg5 : memref<8x128xi32, #tpu.memory_space<vmem>>) target_semaphore(%run_scoped3A : memref<!tpu.dma_semaphore, #tpu.memory_space<semaphore_mem>>)
      %dma_wait3A_425 = arith.constant 0 : i32
      %dma_wait3A_426 = arith.constant 0 : i32
      %dma_wait3A_427 = tpu.memref_slice %arg3[%add3A, %dma_wait3A_425, %dma_wait3A_426] : memref<32x8x128xi32, #tpu.memory_space<hbm>> -> memref<1x8x128xi32, #tpu.memory_space<hbm>>
      %dma_wait3A_428 = tpu.memref_squeeze %dma_wait3A_427 : memref<1x8x128xi32, #tpu.memory_space<hbm>> -> memref<8x128xi32, #tpu.memory_space<hbm>>
      %dma_wait3A_429 = arith.constant 0 : i32
      %dma_wait3A_430 = arith.constant 0 : i32
      %dma_wait3A_431 = tpu.memref_slice %arg3[%add3A, %dma_wait3A_429, %dma_wait3A_430] : memref<32x8x128xi32, #tpu.memory_space<hbm>> -> memref<1x8x128xi32, #tpu.memory_space<hbm>>
      %dma_wait3A_432 = tpu.memref_squeeze %dma_wait3A_431 : memref<1x8x128xi32, #tpu.memory_space<hbm>> -> memref<8x128xi32, #tpu.memory_space<hbm>>
      tpu.wait_dma2 semaphore(%run_scoped3A : memref<!tpu.dma_semaphore, #tpu.memory_space<semaphore_mem>>) src(%dma_wait3A_432 : memref<8x128xi32, #tpu.memory_space<hbm>>) dst(%arg5 : memref<8x128xi32, #tpu.memory_space<vmem>>)
      tpu.yield
    }) : () -> ()
    %dma_start3A = arith.constant 0 : i32
    %dma_start3A_3 = arith.constant 0 : i32
    %dma_start3A_4 = arith.constant 0 : i32
    %dma_start3A_5 = arith.constant 0 : i32
    %dma_start3A_6 = tpu.memref_slice %arg6[%dma_start3A_3, %dma_start3A_4, %dma_start3A_5] : memref<7x128x128xf32, #tpu.memory_space<vmem>> -> memref<1x128x128xf32, #tpu.memory_space<vmem>>
    %dma_start3A_7 = tpu.memref_squeeze %dma_start3A_6 : memref<1x128x128xf32, #tpu.memory_space<vmem>> -> memref<128x128xf32, #tpu.memory_space<vmem>>
    %dma_start3A_8 = arith.constant 0 : i32
    %dma_start3A_9 = tpu.memref_slice %arg5[%dma_start3A, %dma_start3A_8] : memref<8x128xi32, #tpu.memory_space<vmem>> -> memref<1x128xi32, #tpu.memory_space<vmem>>
    %dma_start3A_10 = tpu.memref_squeeze %dma_start3A_9 : memref<1x128xi32, #tpu.memory_space<vmem>> -> memref<128xi32, #tpu.memory_space<vmem>>
    %dma_start3A_11 = arith.constant 0 : i32
    %dma_start3A_12 = arith.constant 0 : i32
    %dma_start3A_13 = tpu.memref_slice %arg2[%dma_start3A_11, %dma_start3A_12] : memref<100000x128xf32, #tpu.memory_space<hbm>> -> memref<100000x128xf32, #tpu.memory_space<hbm>>
    tpu.enqueue_indirect_dma source(%dma_start3A_13 : memref<100000x128xf32, #tpu.memory_space<hbm>>) target(%dma_start3A_7 : memref<128x128xf32, #tpu.memory_space<vmem>>) offsets(%dma_start3A_10 : memref<128xi32, #tpu.memory_space<vmem>>) semaphore(%arg7 : memref<!tpu.dma_semaphore, #tpu.memory_space<semaphore_mem>>)
    %dma_start3A_14 = arith.constant 1 : i32
    %dma_start3A_15 = arith.constant 1 : i32
    %dma_start3A_16 = arith.constant 0 : i32
    %dma_start3A_17 = arith.constant 0 : i32
    %dma_start3A_18 = tpu.memref_slice %arg6[%dma_start3A_15, %dma_start3A_16, %dma_start3A_17] : memref<7x128x128xf32, #tpu.memory_space<vmem>> -> memref<1x128x128xf32, #tpu.memory_space<vmem>>
    %dma_start3A_19 = tpu.memref_squeeze %dma_start3A_18 : memref<1x128x128xf32, #tpu.memory_space<vmem>> -> memref<128x128xf32, #tpu.memory_space<vmem>>
    %dma_start3A_20 = arith.constant 0 : i32
    %dma_start3A_21 = tpu.memref_slice %arg5[%dma_start3A_14, %dma_start3A_20] : memref<8x128xi32, #tpu.memory_space<vmem>> -> memref<1x128xi32, #tpu.memory_space<vmem>>
    %dma_start3A_22 = tpu.memref_squeeze %dma_start3A_21 : memref<1x128xi32, #tpu.memory_space<vmem>> -> memref<128xi32, #tpu.memory_space<vmem>>
    %dma_start3A_23 = arith.constant 0 : i32
    %dma_start3A_24 = arith.constant 0 : i32
    %dma_start3A_25 = tpu.memref_slice %arg2[%dma_start3A_23, %dma_start3A_24] : memref<100000x128xf32, #tpu.memory_space<hbm>> -> memref<100000x128xf32, #tpu.memory_space<hbm>>
    tpu.enqueue_indirect_dma source(%dma_start3A_25 : memref<100000x128xf32, #tpu.memory_space<hbm>>) target(%dma_start3A_19 : memref<128x128xf32, #tpu.memory_space<vmem>>) offsets(%dma_start3A_22 : memref<128xi32, #tpu.memory_space<vmem>>) semaphore(%arg8 : memref<!tpu.dma_semaphore, #tpu.memory_space<semaphore_mem>>)
    %dma_start3A_26 = arith.constant 2 : i32
    %dma_start3A_27 = arith.constant 2 : i32
    %dma_start3A_28 = arith.constant 0 : i32
    %dma_start3A_29 = arith.constant 0 : i32
    %dma_start3A_30 = tpu.memref_slice %arg6[%dma_start3A_27, %dma_start3A_28, %dma_start3A_29] : memref<7x128x128xf32, #tpu.memory_space<vmem>> -> memref<1x128x128xf32, #tpu.memory_space<vmem>>
    %dma_start3A_31 = tpu.memref_squeeze %dma_start3A_30 : memref<1x128x128xf32, #tpu.memory_space<vmem>> -> memref<128x128xf32, #tpu.memory_space<vmem>>
    %dma_start3A_32 = arith.constant 0 : i32
    %dma_start3A_33 = tpu.memref_slice %arg5[%dma_start3A_26, %dma_start3A_32] : memref<8x128xi32, #tpu.memory_space<vmem>> -> memref<1x128xi32, #tpu.memory_space<vmem>>
    %dma_start3A_34 = tpu.memref_squeeze %dma_start3A_33 : memref<1x128xi32, #tpu.memory_space<vmem>> -> memref<128xi32, #tpu.memory_space<vmem>>
    %dma_start3A_35 = arith.constant 0 : i32
    %dma_start3A_36 = arith.constant 0 : i32
    %dma_start3A_37 = tpu.memref_slice %arg2[%dma_start3A_35, %dma_start3A_36] : memref<100000x128xf32, #tpu.memory_space<hbm>> -> memref<100000x128xf32, #tpu.memory_space<hbm>>
    tpu.enqueue_indirect_dma source(%dma_start3A_37 : memref<100000x128xf32, #tpu.memory_space<hbm>>) target(%dma_start3A_31 : memref<128x128xf32, #tpu.memory_space<vmem>>) offsets(%dma_start3A_34 : memref<128xi32, #tpu.memory_space<vmem>>) semaphore(%arg9 : memref<!tpu.dma_semaphore, #tpu.memory_space<semaphore_mem>>)
    %dma_start3A_38 = arith.constant 3 : i32
    %dma_start3A_39 = arith.constant 3 : i32
    %dma_start3A_40 = arith.constant 0 : i32
    %dma_start3A_41 = arith.constant 0 : i32
    %dma_start3A_42 = tpu.memref_slice %arg6[%dma_start3A_39, %dma_start3A_40, %dma_start3A_41] : memref<7x128x128xf32, #tpu.memory_space<vmem>> -> memref<1x128x128xf32, #tpu.memory_space<vmem>>
    %dma_start3A_43 = tpu.memref_squeeze %dma_start3A_42 : memref<1x128x128xf32, #tpu.memory_space<vmem>> -> memref<128x128xf32, #tpu.memory_space<vmem>>
    %dma_start3A_44 = arith.constant 0 : i32
    %dma_start3A_45 = tpu.memref_slice %arg5[%dma_start3A_38, %dma_start3A_44] : memref<8x128xi32, #tpu.memory_space<vmem>> -> memref<1x128xi32, #tpu.memory_space<vmem>>
    %dma_start3A_46 = tpu.memref_squeeze %dma_start3A_45 : memref<1x128xi32, #tpu.memory_space<vmem>> -> memref<128xi32, #tpu.memory_space<vmem>>
    %dma_start3A_47 = arith.constant 0 : i32
    %dma_start3A_48 = arith.constant 0 : i32
    %dma_start3A_49 = tpu.memref_slice %arg2[%dma_start3A_47, %dma_start3A_48] : memref<100000x128xf32, #tpu.memory_space<hbm>> -> memref<100000x128xf32, #tpu.memory_space<hbm>>
    tpu.enqueue_indirect_dma source(%dma_start3A_49 : memref<100000x128xf32, #tpu.memory_space<hbm>>) target(%dma_start3A_43 : memref<128x128xf32, #tpu.memory_space<vmem>>) offsets(%dma_start3A_46 : memref<128xi32, #tpu.memory_space<vmem>>) semaphore(%arg10 : memref<!tpu.dma_semaphore, #tpu.memory_space<semaphore_mem>>)
    %dma_start3A_50 = arith.constant 4 : i32
    %dma_start3A_51 = arith.constant 4 : i32
    %dma_start3A_52 = arith.constant 0 : i32
    %dma_start3A_53 = arith.constant 0 : i32
    %dma_start3A_54 = tpu.memref_slice %arg6[%dma_start3A_51, %dma_start3A_52, %dma_start3A_53] : memref<7x128x128xf32, #tpu.memory_space<vmem>> -> memref<1x128x128xf32, #tpu.memory_space<vmem>>
    %dma_start3A_55 = tpu.memref_squeeze %dma_start3A_54 : memref<1x128x128xf32, #tpu.memory_space<vmem>> -> memref<128x128xf32, #tpu.memory_space<vmem>>
    %dma_start3A_56 = arith.constant 0 : i32
    %dma_start3A_57 = tpu.memref_slice %arg5[%dma_start3A_50, %dma_start3A_56] : memref<8x128xi32, #tpu.memory_space<vmem>> -> memref<1x128xi32, #tpu.memory_space<vmem>>
    %dma_start3A_58 = tpu.memref_squeeze %dma_start3A_57 : memref<1x128xi32, #tpu.memory_space<vmem>> -> memref<128xi32, #tpu.memory_space<vmem>>
    %dma_start3A_59 = arith.constant 0 : i32
    %dma_start3A_60 = arith.constant 0 : i32
    %dma_start3A_61 = tpu.memref_slice %arg2[%dma_start3A_59, %dma_start3A_60] : memref<100000x128xf32, #tpu.memory_space<hbm>> -> memref<100000x128xf32, #tpu.memory_space<hbm>>
    tpu.enqueue_indirect_dma source(%dma_start3A_61 : memref<100000x128xf32, #tpu.memory_space<hbm>>) target(%dma_start3A_55 : memref<128x128xf32, #tpu.memory_space<vmem>>) offsets(%dma_start3A_58 : memref<128xi32, #tpu.memory_space<vmem>>) semaphore(%arg11 : memref<!tpu.dma_semaphore, #tpu.memory_space<semaphore_mem>>)
    %dma_start3A_62 = arith.constant 5 : i32
    %dma_start3A_63 = arith.constant 5 : i32
    %dma_start3A_64 = arith.constant 0 : i32
    %dma_start3A_65 = arith.constant 0 : i32
    %dma_start3A_66 = tpu.memref_slice %arg6[%dma_start3A_63, %dma_start3A_64, %dma_start3A_65] : memref<7x128x128xf32, #tpu.memory_space<vmem>> -> memref<1x128x128xf32, #tpu.memory_space<vmem>>
    %dma_start3A_67 = tpu.memref_squeeze %dma_start3A_66 : memref<1x128x128xf32, #tpu.memory_space<vmem>> -> memref<128x128xf32, #tpu.memory_space<vmem>>
    %dma_start3A_68 = arith.constant 0 : i32
    %dma_start3A_69 = tpu.memref_slice %arg5[%dma_start3A_62, %dma_start3A_68] : memref<8x128xi32, #tpu.memory_space<vmem>> -> memref<1x128xi32, #tpu.memory_space<vmem>>
    %dma_start3A_70 = tpu.memref_squeeze %dma_start3A_69 : memref<1x128xi32, #tpu.memory_space<vmem>> -> memref<128xi32, #tpu.memory_space<vmem>>
    %dma_start3A_71 = arith.constant 0 : i32
    %dma_start3A_72 = arith.constant 0 : i32
    %dma_start3A_73 = tpu.memref_slice %arg2[%dma_start3A_71, %dma_start3A_72] : memref<100000x128xf32, #tpu.memory_space<hbm>> -> memref<100000x128xf32, #tpu.memory_space<hbm>>
    tpu.enqueue_indirect_dma source(%dma_start3A_73 : memref<100000x128xf32, #tpu.memory_space<hbm>>) target(%dma_start3A_67 : memref<128x128xf32, #tpu.memory_space<vmem>>) offsets(%dma_start3A_70 : memref<128xi32, #tpu.memory_space<vmem>>) semaphore(%arg12 : memref<!tpu.dma_semaphore, #tpu.memory_space<semaphore_mem>>)
    %dma_start3A_74 = arith.constant 6 : i32
    %dma_start3A_75 = arith.constant 6 : i32
    %dma_start3A_76 = arith.constant 0 : i32
    %dma_start3A_77 = arith.constant 0 : i32
    %dma_start3A_78 = tpu.memref_slice %arg6[%dma_start3A_75, %dma_start3A_76, %dma_start3A_77] : memref<7x128x128xf32, #tpu.memory_space<vmem>> -> memref<1x128x128xf32, #tpu.memory_space<vmem>>
    %dma_start3A_79 = tpu.memref_squeeze %dma_start3A_78 : memref<1x128x128xf32, #tpu.memory_space<vmem>> -> memref<128x128xf32, #tpu.memory_space<vmem>>
    %dma_start3A_80 = arith.constant 0 : i32
    %dma_start3A_81 = tpu.memref_slice %arg5[%dma_start3A_74, %dma_start3A_80] : memref<8x128xi32, #tpu.memory_space<vmem>> -> memref<1x128xi32, #tpu.memory_space<vmem>>
    %dma_start3A_82 = tpu.memref_squeeze %dma_start3A_81 : memref<1x128xi32, #tpu.memory_space<vmem>> -> memref<128xi32, #tpu.memory_space<vmem>>
    %dma_start3A_83 = arith.constant 0 : i32
    %dma_start3A_84 = arith.constant 0 : i32
    %dma_start3A_85 = tpu.memref_slice %arg2[%dma_start3A_83, %dma_start3A_84] : memref<100000x128xf32, #tpu.memory_space<hbm>> -> memref<100000x128xf32, #tpu.memory_space<hbm>>
    tpu.enqueue_indirect_dma source(%dma_start3A_85 : memref<100000x128xf32, #tpu.memory_space<hbm>>) target(%dma_start3A_79 : memref<128x128xf32, #tpu.memory_space<vmem>>) offsets(%dma_start3A_82 : memref<128xi32, #tpu.memory_space<vmem>>) semaphore(%arg13 : memref<!tpu.dma_semaphore, #tpu.memory_space<semaphore_mem>>)
    %dma_wait3A = arith.constant 0 : i32
    %dma_wait3A_86 = arith.constant 0 : i32
    %dma_wait3A_87 = arith.constant 0 : i32
    %dma_wait3A_88 = arith.constant 0 : i32
    %dma_wait3A_89 = tpu.memref_slice %arg6[%dma_wait3A_86, %dma_wait3A_87, %dma_wait3A_88] : memref<7x128x128xf32, #tpu.memory_space<vmem>> -> memref<1x128x128xf32, #tpu.memory_space<vmem>>
    %dma_wait3A_90 = tpu.memref_squeeze %dma_wait3A_89 : memref<1x128x128xf32, #tpu.memory_space<vmem>> -> memref<128x128xf32, #tpu.memory_space<vmem>>
    %dma_wait3A_91 = arith.constant 0 : i32
    %dma_wait3A_92 = tpu.memref_slice %arg5[%dma_wait3A, %dma_wait3A_91] : memref<8x128xi32, #tpu.memory_space<vmem>> -> memref<1x128xi32, #tpu.memory_space<vmem>>
    %dma_wait3A_93 = tpu.memref_squeeze %dma_wait3A_92 : memref<1x128xi32, #tpu.memory_space<vmem>> -> memref<128xi32, #tpu.memory_space<vmem>>
    %dma_wait3A_94 = arith.constant 0 : i32
    %dma_wait3A_95 = arith.constant 0 : i32
    %dma_wait3A_96 = tpu.memref_slice %arg2[%dma_wait3A_94, %dma_wait3A_95] : memref<100000x128xf32, #tpu.memory_space<hbm>> -> memref<100000x128xf32, #tpu.memory_space<hbm>>
    tpu.wait_indirect_dma semaphore(%arg7 : memref<!tpu.dma_semaphore, #tpu.memory_space<semaphore_mem>>) src(%dma_wait3A_96 : memref<100000x128xf32, #tpu.memory_space<hbm>>) dst(%dma_wait3A_90 : memref<128x128xf32, #tpu.memory_space<vmem>>)
    %add3A_97 = arith.constant 0 : i32
    %add3A_98 = arith.addi %mul3A_2, %add3A_97 : i32
    %dma_start3A_99 = arith.constant 0 : i32
    %dma_start3A_100 = arith.constant 0 : i32
    %dma_start3A_101 = arith.constant 0 : i32
    %dma_start3A_102 = tpu.memref_slice %arg6[%dma_start3A_99, %dma_start3A_100, %dma_start3A_101] : memref<7x128x128xf32, #tpu.memory_space<vmem>> -> memref<1x128x128xf32, #tpu.memory_space<vmem>>
    %dma_start3A_103 = tpu.memref_squeeze %dma_start3A_102 : memref<1x128x128xf32, #tpu.memory_space<vmem>> -> memref<128x128xf32, #tpu.memory_space<vmem>>
    %dma_start3A_104 = arith.constant 0 : i32
    %dma_start3A_105 = tpu.memref_slice %arg4[%add3A_98, %dma_start3A_104] : memref<32768x128xf32, #tpu.memory_space<hbm>> -> memref<128x128xf32, #tpu.memory_space<hbm>>
    %dma_start3A_106 = arith.constant 0 : i32
    %dma_start3A_107 = tpu.memref_slice %arg4[%add3A_98, %dma_start3A_106] : memref<32768x128xf32, #tpu.memory_space<hbm>> -> memref<128x128xf32, #tpu.memory_space<hbm>>
    %dma_start3A_108 = arith.constant 0 : i32
    %dma_start3A_109 = arith.constant 0 : i32
    %dma_start3A_110 = tpu.memref_slice %arg6[%dma_start3A_99, %dma_start3A_108, %dma_start3A_109] : memref<7x128x128xf32, #tpu.memory_space<vmem>> -> memref<1x128x128xf32, #tpu.memory_space<vmem>>
    %dma_start3A_111 = tpu.memref_squeeze %dma_start3A_110 : memref<1x128x128xf32, #tpu.memory_space<vmem>> -> memref<128x128xf32, #tpu.memory_space<vmem>>
    tpu.enqueue_dma source(%dma_start3A_111 : memref<128x128xf32, #tpu.memory_space<vmem>>) target(%dma_start3A_107 : memref<128x128xf32, #tpu.memory_space<hbm>>) target_semaphore(%arg14 : memref<!tpu.dma_semaphore, #tpu.memory_space<semaphore_mem>>)
    %dma_wait3A_112 = arith.constant 0 : i32
    %dma_wait3A_113 = arith.constant 0 : i32
    %dma_wait3A_114 = arith.constant 0 : i32
    %dma_wait3A_115 = tpu.memref_slice %arg6[%dma_wait3A_112, %dma_wait3A_113, %dma_wait3A_114] : memref<7x128x128xf32, #tpu.memory_space<vmem>> -> memref<1x128x128xf32, #tpu.memory_space<vmem>>
    %dma_wait3A_116 = tpu.memref_squeeze %dma_wait3A_115 : memref<1x128x128xf32, #tpu.memory_space<vmem>> -> memref<128x128xf32, #tpu.memory_space<vmem>>
    %dma_wait3A_117 = arith.constant 0 : i32
    %dma_wait3A_118 = tpu.memref_slice %arg4[%add3A_98, %dma_wait3A_117] : memref<32768x128xf32, #tpu.memory_space<hbm>> -> memref<128x128xf32, #tpu.memory_space<hbm>>
    %dma_wait3A_119 = arith.constant 0 : i32
    %dma_wait3A_120 = tpu.memref_slice %arg4[%add3A_98, %dma_wait3A_119] : memref<32768x128xf32, #tpu.memory_space<hbm>> -> memref<128x128xf32, #tpu.memory_space<hbm>>
    %dma_wait3A_121 = arith.constant 0 : i32
    %dma_wait3A_122 = arith.constant 0 : i32
    %dma_wait3A_123 = tpu.memref_slice %arg6[%dma_wait3A_112, %dma_wait3A_121, %dma_wait3A_122] : memref<7x128x128xf32, #tpu.memory_space<vmem>> -> memref<1x128x128xf32, #tpu.memory_space<vmem>>
    %dma_wait3A_124 = tpu.memref_squeeze %dma_wait3A_123 : memref<1x128x128xf32, #tpu.memory_space<vmem>> -> memref<128x128xf32, #tpu.memory_space<vmem>>
    tpu.wait_dma2 semaphore(%arg14 : memref<!tpu.dma_semaphore, #tpu.memory_space<semaphore_mem>>) src(%dma_wait3A_124 : memref<128x128xf32, #tpu.memory_space<vmem>>) dst(%dma_wait3A_120 : memref<128x128xf32, #tpu.memory_space<hbm>>)
    %dma_start3A_125 = arith.constant 7 : i32
    %dma_start3A_126 = arith.constant 0 : i32
    %dma_start3A_127 = arith.constant 0 : i32
    %dma_start3A_128 = arith.constant 0 : i32
    %dma_start3A_129 = tpu.memref_slice %arg6[%dma_start3A_126, %dma_start3A_127, %dma_start3A_128] : memref<7x128x128xf32, #tpu.memory_space<vmem>> -> memref<1x128x128xf32, #tpu.memory_space<vmem>>
    %dma_start3A_130 = tpu.memref_squeeze %dma_start3A_129 : memref<1x128x128xf32, #tpu.memory_space<vmem>> -> memref<128x128xf32, #tpu.memory_space<vmem>>
    %dma_start3A_131 = arith.constant 0 : i32
    %dma_start3A_132 = tpu.memref_slice %arg5[%dma_start3A_125, %dma_start3A_131] : memref<8x128xi32, #tpu.memory_space<vmem>> -> memref<1x128xi32, #tpu.memory_space<vmem>>
    %dma_start3A_133 = tpu.memref_squeeze %dma_start3A_132 : memref<1x128xi32, #tpu.memory_space<vmem>> -> memref<128xi32, #tpu.memory_space<vmem>>
    %dma_start3A_134 = arith.constant 0 : i32
    %dma_start3A_135 = arith.constant 0 : i32
    %dma_start3A_136 = tpu.memref_slice %arg2[%dma_start3A_134, %dma_start3A_135] : memref<100000x128xf32, #tpu.memory_space<hbm>> -> memref<100000x128xf32, #tpu.memory_space<hbm>>
    tpu.enqueue_indirect_dma source(%dma_start3A_136 : memref<100000x128xf32, #tpu.memory_space<hbm>>) target(%dma_start3A_130 : memref<128x128xf32, #tpu.memory_space<vmem>>) offsets(%dma_start3A_133 : memref<128xi32, #tpu.memory_space<vmem>>) semaphore(%arg7 : memref<!tpu.dma_semaphore, #tpu.memory_space<semaphore_mem>>)
    %dma_wait3A_137 = arith.constant 1 : i32
    %dma_wait3A_138 = arith.constant 1 : i32
    %dma_wait3A_139 = arith.constant 0 : i32
    %dma_wait3A_140 = arith.constant 0 : i32
    %dma_wait3A_141 = tpu.memref_slice %arg6[%dma_wait3A_138, %dma_wait3A_139, %dma_wait3A_140] : memref<7x128x128xf32, #tpu.memory_space<vmem>> -> memref<1x128x128xf32, #tpu.memory_space<vmem>>
    %dma_wait3A_142 = tpu.memref_squeeze %dma_wait3A_141 : memref<1x128x128xf32, #tpu.memory_space<vmem>> -> memref<128x128xf32, #tpu.memory_space<vmem>>
    %dma_wait3A_143 = arith.constant 0 : i32
    %dma_wait3A_144 = tpu.memref_slice %arg5[%dma_wait3A_137, %dma_wait3A_143] : memref<8x128xi32, #tpu.memory_space<vmem>> -> memref<1x128xi32, #tpu.memory_space<vmem>>
    %dma_wait3A_145 = tpu.memref_squeeze %dma_wait3A_144 : memref<1x128xi32, #tpu.memory_space<vmem>> -> memref<128xi32, #tpu.memory_space<vmem>>
    %dma_wait3A_146 = arith.constant 0 : i32
    %dma_wait3A_147 = arith.constant 0 : i32
    %dma_wait3A_148 = tpu.memref_slice %arg2[%dma_wait3A_146, %dma_wait3A_147] : memref<100000x128xf32, #tpu.memory_space<hbm>> -> memref<100000x128xf32, #tpu.memory_space<hbm>>
    tpu.wait_indirect_dma semaphore(%arg8 : memref<!tpu.dma_semaphore, #tpu.memory_space<semaphore_mem>>) src(%dma_wait3A_148 : memref<100000x128xf32, #tpu.memory_space<hbm>>) dst(%dma_wait3A_142 : memref<128x128xf32, #tpu.memory_space<vmem>>)
    %add3A_149 = arith.constant 128 : i32
    %add3A_150 = arith.addi %mul3A_2, %add3A_149 : i32
    %dma_start3A_151 = arith.constant 1 : i32
    %dma_start3A_152 = arith.constant 0 : i32
    %dma_start3A_153 = arith.constant 0 : i32
    %dma_start3A_154 = tpu.memref_slice %arg6[%dma_start3A_151, %dma_start3A_152, %dma_start3A_153] : memref<7x128x128xf32, #tpu.memory_space<vmem>> -> memref<1x128x128xf32, #tpu.memory_space<vmem>>
    %dma_start3A_155 = tpu.memref_squeeze %dma_start3A_154 : memref<1x128x128xf32, #tpu.memory_space<vmem>> -> memref<128x128xf32, #tpu.memory_space<vmem>>
    %dma_start3A_156 = arith.constant 0 : i32
    %dma_start3A_157 = tpu.memref_slice %arg4[%add3A_150, %dma_start3A_156] : memref<32768x128xf32, #tpu.memory_space<hbm>> -> memref<128x128xf32, #tpu.memory_space<hbm>>
    %dma_start3A_158 = arith.constant 0 : i32
    %dma_start3A_159 = tpu.memref_slice %arg4[%add3A_150, %dma_start3A_158] : memref<32768x128xf32, #tpu.memory_space<hbm>> -> memref<128x128xf32, #tpu.memory_space<hbm>>
    %dma_start3A_160 = arith.constant 0 : i32
    %dma_start3A_161 = arith.constant 0 : i32
    %dma_start3A_162 = tpu.memref_slice %arg6[%dma_start3A_151, %dma_start3A_160, %dma_start3A_161] : memref<7x128x128xf32, #tpu.memory_space<vmem>> -> memref<1x128x128xf32, #tpu.memory_space<vmem>>
    %dma_start3A_163 = tpu.memref_squeeze %dma_start3A_162 : memref<1x128x128xf32, #tpu.memory_space<vmem>> -> memref<128x128xf32, #tpu.memory_space<vmem>>
    tpu.enqueue_dma source(%dma_start3A_163 : memref<128x128xf32, #tpu.memory_space<vmem>>) target(%dma_start3A_159 : memref<128x128xf32, #tpu.memory_space<hbm>>) target_semaphore(%arg15 : memref<!tpu.dma_semaphore, #tpu.memory_space<semaphore_mem>>)
    %dma_wait3A_164 = arith.constant 2 : i32
    %dma_wait3A_165 = arith.constant 2 : i32
    %dma_wait3A_166 = arith.constant 0 : i32
    %dma_wait3A_167 = arith.constant 0 : i32
    %dma_wait3A_168 = tpu.memref_slice %arg6[%dma_wait3A_165, %dma_wait3A_166, %dma_wait3A_167] : memref<7x128x128xf32, #tpu.memory_space<vmem>> -> memref<1x128x128xf32, #tpu.memory_space<vmem>>
    %dma_wait3A_169 = tpu.memref_squeeze %dma_wait3A_168 : memref<1x128x128xf32, #tpu.memory_space<vmem>> -> memref<128x128xf32, #tpu.memory_space<vmem>>
    %dma_wait3A_170 = arith.constant 0 : i32
    %dma_wait3A_171 = tpu.memref_slice %arg5[%dma_wait3A_164, %dma_wait3A_170] : memref<8x128xi32, #tpu.memory_space<vmem>> -> memref<1x128xi32, #tpu.memory_space<vmem>>
    %dma_wait3A_172 = tpu.memref_squeeze %dma_wait3A_171 : memref<1x128xi32, #tpu.memory_space<vmem>> -> memref<128xi32, #tpu.memory_space<vmem>>
    %dma_wait3A_173 = arith.constant 0 : i32
    %dma_wait3A_174 = arith.constant 0 : i32
    %dma_wait3A_175 = tpu.memref_slice %arg2[%dma_wait3A_173, %dma_wait3A_174] : memref<100000x128xf32, #tpu.memory_space<hbm>> -> memref<100000x128xf32, #tpu.memory_space<hbm>>
    tpu.wait_indirect_dma semaphore(%arg9 : memref<!tpu.dma_semaphore, #tpu.memory_space<semaphore_mem>>) src(%dma_wait3A_175 : memref<100000x128xf32, #tpu.memory_space<hbm>>) dst(%dma_wait3A_169 : memref<128x128xf32, #tpu.memory_space<vmem>>)
    %add3A_176 = arith.constant 256 : i32
    %add3A_177 = arith.addi %mul3A_2, %add3A_176 : i32
    %dma_start3A_178 = arith.constant 2 : i32
    %dma_start3A_179 = arith.constant 0 : i32
    %dma_start3A_180 = arith.constant 0 : i32
    %dma_start3A_181 = tpu.memref_slice %arg6[%dma_start3A_178, %dma_start3A_179, %dma_start3A_180] : memref<7x128x128xf32, #tpu.memory_space<vmem>> -> memref<1x128x128xf32, #tpu.memory_space<vmem>>
    %dma_start3A_182 = tpu.memref_squeeze %dma_start3A_181 : memref<1x128x128xf32, #tpu.memory_space<vmem>> -> memref<128x128xf32, #tpu.memory_space<vmem>>
    %dma_start3A_183 = arith.constant 0 : i32
    %dma_start3A_184 = tpu.memref_slice %arg4[%add3A_177, %dma_start3A_183] : memref<32768x128xf32, #tpu.memory_space<hbm>> -> memref<128x128xf32, #tpu.memory_space<hbm>>
    %dma_start3A_185 = arith.constant 0 : i32
    %dma_start3A_186 = tpu.memref_slice %arg4[%add3A_177, %dma_start3A_185] : memref<32768x128xf32, #tpu.memory_space<hbm>> -> memref<128x128xf32, #tpu.memory_space<hbm>>
    %dma_start3A_187 = arith.constant 0 : i32
    %dma_start3A_188 = arith.constant 0 : i32
    %dma_start3A_189 = tpu.memref_slice %arg6[%dma_start3A_178, %dma_start3A_187, %dma_start3A_188] : memref<7x128x128xf32, #tpu.memory_space<vmem>> -> memref<1x128x128xf32, #tpu.memory_space<vmem>>
    %dma_start3A_190 = tpu.memref_squeeze %dma_start3A_189 : memref<1x128x128xf32, #tpu.memory_space<vmem>> -> memref<128x128xf32, #tpu.memory_space<vmem>>
    tpu.enqueue_dma source(%dma_start3A_190 : memref<128x128xf32, #tpu.memory_space<vmem>>) target(%dma_start3A_186 : memref<128x128xf32, #tpu.memory_space<hbm>>) target_semaphore(%arg16 : memref<!tpu.dma_semaphore, #tpu.memory_space<semaphore_mem>>)
    %dma_wait3A_191 = arith.constant 3 : i32
    %dma_wait3A_192 = arith.constant 3 : i32
    %dma_wait3A_193 = arith.constant 0 : i32
    %dma_wait3A_194 = arith.constant 0 : i32
    %dma_wait3A_195 = tpu.memref_slice %arg6[%dma_wait3A_192, %dma_wait3A_193, %dma_wait3A_194] : memref<7x128x128xf32, #tpu.memory_space<vmem>> -> memref<1x128x128xf32, #tpu.memory_space<vmem>>
    %dma_wait3A_196 = tpu.memref_squeeze %dma_wait3A_195 : memref<1x128x128xf32, #tpu.memory_space<vmem>> -> memref<128x128xf32, #tpu.memory_space<vmem>>
    %dma_wait3A_197 = arith.constant 0 : i32
    %dma_wait3A_198 = tpu.memref_slice %arg5[%dma_wait3A_191, %dma_wait3A_197] : memref<8x128xi32, #tpu.memory_space<vmem>> -> memref<1x128xi32, #tpu.memory_space<vmem>>
    %dma_wait3A_199 = tpu.memref_squeeze %dma_wait3A_198 : memref<1x128xi32, #tpu.memory_space<vmem>> -> memref<128xi32, #tpu.memory_space<vmem>>
    %dma_wait3A_200 = arith.constant 0 : i32
    %dma_wait3A_201 = arith.constant 0 : i32
    %dma_wait3A_202 = tpu.memref_slice %arg2[%dma_wait3A_200, %dma_wait3A_201] : memref<100000x128xf32, #tpu.memory_space<hbm>> -> memref<100000x128xf32, #tpu.memory_space<hbm>>
    tpu.wait_indirect_dma semaphore(%arg10 : memref<!tpu.dma_semaphore, #tpu.memory_space<semaphore_mem>>) src(%dma_wait3A_202 : memref<100000x128xf32, #tpu.memory_space<hbm>>) dst(%dma_wait3A_196 : memref<128x128xf32, #tpu.memory_space<vmem>>)
    %add3A_203 = arith.constant 384 : i32
    %add3A_204 = arith.addi %mul3A_2, %add3A_203 : i32
    %dma_start3A_205 = arith.constant 3 : i32
    %dma_start3A_206 = arith.constant 0 : i32
    %dma_start3A_207 = arith.constant 0 : i32
    %dma_start3A_208 = tpu.memref_slice %arg6[%dma_start3A_205, %dma_start3A_206, %dma_start3A_207] : memref<7x128x128xf32, #tpu.memory_space<vmem>> -> memref<1x128x128xf32, #tpu.memory_space<vmem>>
    %dma_start3A_209 = tpu.memref_squeeze %dma_start3A_208 : memref<1x128x128xf32, #tpu.memory_space<vmem>> -> memref<128x128xf32, #tpu.memory_space<vmem>>
    %dma_start3A_210 = arith.constant 0 : i32
    %dma_start3A_211 = tpu.memref_slice %arg4[%add3A_204, %dma_start3A_210] : memref<32768x128xf32, #tpu.memory_space<hbm>> -> memref<128x128xf32, #tpu.memory_space<hbm>>
    %dma_start3A_212 = arith.constant 0 : i32
    %dma_start3A_213 = tpu.memref_slice %arg4[%add3A_204, %dma_start3A_212] : memref<32768x128xf32, #tpu.memory_space<hbm>> -> memref<128x128xf32, #tpu.memory_space<hbm>>
    %dma_start3A_214 = arith.constant 0 : i32
    %dma_start3A_215 = arith.constant 0 : i32
    %dma_start3A_216 = tpu.memref_slice %arg6[%dma_start3A_205, %dma_start3A_214, %dma_start3A_215] : memref<7x128x128xf32, #tpu.memory_space<vmem>> -> memref<1x128x128xf32, #tpu.memory_space<vmem>>
    %dma_start3A_217 = tpu.memref_squeeze %dma_start3A_216 : memref<1x128x128xf32, #tpu.memory_space<vmem>> -> memref<128x128xf32, #tpu.memory_space<vmem>>
    tpu.enqueue_dma source(%dma_start3A_217 : memref<128x128xf32, #tpu.memory_space<vmem>>) target(%dma_start3A_213 : memref<128x128xf32, #tpu.memory_space<hbm>>) target_semaphore(%arg17 : memref<!tpu.dma_semaphore, #tpu.memory_space<semaphore_mem>>)
    %dma_wait3A_218 = arith.constant 4 : i32
    %dma_wait3A_219 = arith.constant 4 : i32
    %dma_wait3A_220 = arith.constant 0 : i32
    %dma_wait3A_221 = arith.constant 0 : i32
    %dma_wait3A_222 = tpu.memref_slice %arg6[%dma_wait3A_219, %dma_wait3A_220, %dma_wait3A_221] : memref<7x128x128xf32, #tpu.memory_space<vmem>> -> memref<1x128x128xf32, #tpu.memory_space<vmem>>
    %dma_wait3A_223 = tpu.memref_squeeze %dma_wait3A_222 : memref<1x128x128xf32, #tpu.memory_space<vmem>> -> memref<128x128xf32, #tpu.memory_space<vmem>>
    %dma_wait3A_224 = arith.constant 0 : i32
    %dma_wait3A_225 = tpu.memref_slice %arg5[%dma_wait3A_218, %dma_wait3A_224] : memref<8x128xi32, #tpu.memory_space<vmem>> -> memref<1x128xi32, #tpu.memory_space<vmem>>
    %dma_wait3A_226 = tpu.memref_squeeze %dma_wait3A_225 : memref<1x128xi32, #tpu.memory_space<vmem>> -> memref<128xi32, #tpu.memory_space<vmem>>
    %dma_wait3A_227 = arith.constant 0 : i32
    %dma_wait3A_228 = arith.constant 0 : i32
    %dma_wait3A_229 = tpu.memref_slice %arg2[%dma_wait3A_227, %dma_wait3A_228] : memref<100000x128xf32, #tpu.memory_space<hbm>> -> memref<100000x128xf32, #tpu.memory_space<hbm>>
    tpu.wait_indirect_dma semaphore(%arg11 : memref<!tpu.dma_semaphore, #tpu.memory_space<semaphore_mem>>) src(%dma_wait3A_229 : memref<100000x128xf32, #tpu.memory_space<hbm>>) dst(%dma_wait3A_223 : memref<128x128xf32, #tpu.memory_space<vmem>>)
    %add3A_230 = arith.constant 512 : i32
    %add3A_231 = arith.addi %mul3A_2, %add3A_230 : i32
    %dma_start3A_232 = arith.constant 4 : i32
    %dma_start3A_233 = arith.constant 0 : i32
    %dma_start3A_234 = arith.constant 0 : i32
    %dma_start3A_235 = tpu.memref_slice %arg6[%dma_start3A_232, %dma_start3A_233, %dma_start3A_234] : memref<7x128x128xf32, #tpu.memory_space<vmem>> -> memref<1x128x128xf32, #tpu.memory_space<vmem>>
    %dma_start3A_236 = tpu.memref_squeeze %dma_start3A_235 : memref<1x128x128xf32, #tpu.memory_space<vmem>> -> memref<128x128xf32, #tpu.memory_space<vmem>>
    %dma_start3A_237 = arith.constant 0 : i32
    %dma_start3A_238 = tpu.memref_slice %arg4[%add3A_231, %dma_start3A_237] : memref<32768x128xf32, #tpu.memory_space<hbm>> -> memref<128x128xf32, #tpu.memory_space<hbm>>
    %dma_start3A_239 = arith.constant 0 : i32
    %dma_start3A_240 = tpu.memref_slice %arg4[%add3A_231, %dma_start3A_239] : memref<32768x128xf32, #tpu.memory_space<hbm>> -> memref<128x128xf32, #tpu.memory_space<hbm>>
    %dma_start3A_241 = arith.constant 0 : i32
    %dma_start3A_242 = arith.constant 0 : i32
    %dma_start3A_243 = tpu.memref_slice %arg6[%dma_start3A_232, %dma_start3A_241, %dma_start3A_242] : memref<7x128x128xf32, #tpu.memory_space<vmem>> -> memref<1x128x128xf32, #tpu.memory_space<vmem>>
    %dma_start3A_244 = tpu.memref_squeeze %dma_start3A_243 : memref<1x128x128xf32, #tpu.memory_space<vmem>> -> memref<128x128xf32, #tpu.memory_space<vmem>>
    tpu.enqueue_dma source(%dma_start3A_244 : memref<128x128xf32, #tpu.memory_space<vmem>>) target(%dma_start3A_240 : memref<128x128xf32, #tpu.memory_space<hbm>>) target_semaphore(%arg18 : memref<!tpu.dma_semaphore, #tpu.memory_space<semaphore_mem>>)
    %dma_wait3A_245 = arith.constant 5 : i32
    %dma_wait3A_246 = arith.constant 5 : i32
    %dma_wait3A_247 = arith.constant 0 : i32
    %dma_wait3A_248 = arith.constant 0 : i32
    %dma_wait3A_249 = tpu.memref_slice %arg6[%dma_wait3A_246, %dma_wait3A_247, %dma_wait3A_248] : memref<7x128x128xf32, #tpu.memory_space<vmem>> -> memref<1x128x128xf32, #tpu.memory_space<vmem>>
    %dma_wait3A_250 = tpu.memref_squeeze %dma_wait3A_249 : memref<1x128x128xf32, #tpu.memory_space<vmem>> -> memref<128x128xf32, #tpu.memory_space<vmem>>
    %dma_wait3A_251 = arith.constant 0 : i32
    %dma_wait3A_252 = tpu.memref_slice %arg5[%dma_wait3A_245, %dma_wait3A_251] : memref<8x128xi32, #tpu.memory_space<vmem>> -> memref<1x128xi32, #tpu.memory_space<vmem>>
    %dma_wait3A_253 = tpu.memref_squeeze %dma_wait3A_252 : memref<1x128xi32, #tpu.memory_space<vmem>> -> memref<128xi32, #tpu.memory_space<vmem>>
    %dma_wait3A_254 = arith.constant 0 : i32
    %dma_wait3A_255 = arith.constant 0 : i32
    %dma_wait3A_256 = tpu.memref_slice %arg2[%dma_wait3A_254, %dma_wait3A_255] : memref<100000x128xf32, #tpu.memory_space<hbm>> -> memref<100000x128xf32, #tpu.memory_space<hbm>>
    tpu.wait_indirect_dma semaphore(%arg12 : memref<!tpu.dma_semaphore, #tpu.memory_space<semaphore_mem>>) src(%dma_wait3A_256 : memref<100000x128xf32, #tpu.memory_space<hbm>>) dst(%dma_wait3A_250 : memref<128x128xf32, #tpu.memory_space<vmem>>)
    %add3A_257 = arith.constant 640 : i32
    %add3A_258 = arith.addi %mul3A_2, %add3A_257 : i32
    %dma_start3A_259 = arith.constant 5 : i32
    %dma_start3A_260 = arith.constant 0 : i32
    %dma_start3A_261 = arith.constant 0 : i32
    %dma_start3A_262 = tpu.memref_slice %arg6[%dma_start3A_259, %dma_start3A_260, %dma_start3A_261] : memref<7x128x128xf32, #tpu.memory_space<vmem>> -> memref<1x128x128xf32, #tpu.memory_space<vmem>>
    %dma_start3A_263 = tpu.memref_squeeze %dma_start3A_262 : memref<1x128x128xf32, #tpu.memory_space<vmem>> -> memref<128x128xf32, #tpu.memory_space<vmem>>
    %dma_start3A_264 = arith.constant 0 : i32
    %dma_start3A_265 = tpu.memref_slice %arg4[%add3A_258, %dma_start3A_264] : memref<32768x128xf32, #tpu.memory_space<hbm>> -> memref<128x128xf32, #tpu.memory_space<hbm>>
    %dma_start3A_266 = arith.constant 0 : i32
    %dma_start3A_267 = tpu.memref_slice %arg4[%add3A_258, %dma_start3A_266] : memref<32768x128xf32, #tpu.memory_space<hbm>> -> memref<128x128xf32, #tpu.memory_space<hbm>>
    %dma_start3A_268 = arith.constant 0 : i32
    %dma_start3A_269 = arith.constant 0 : i32
    %dma_start3A_270 = tpu.memref_slice %arg6[%dma_start3A_259, %dma_start3A_268, %dma_start3A_269] : memref<7x128x128xf32, #tpu.memory_space<vmem>> -> memref<1x128x128xf32, #tpu.memory_space<vmem>>
    %dma_start3A_271 = tpu.memref_squeeze %dma_start3A_270 : memref<1x128x128xf32, #tpu.memory_space<vmem>> -> memref<128x128xf32, #tpu.memory_space<vmem>>
    tpu.enqueue_dma source(%dma_start3A_271 : memref<128x128xf32, #tpu.memory_space<vmem>>) target(%dma_start3A_267 : memref<128x128xf32, #tpu.memory_space<hbm>>) target_semaphore(%arg19 : memref<!tpu.dma_semaphore, #tpu.memory_space<semaphore_mem>>)
    %dma_wait3A_272 = arith.constant 6 : i32
    %dma_wait3A_273 = arith.constant 6 : i32
    %dma_wait3A_274 = arith.constant 0 : i32
    %dma_wait3A_275 = arith.constant 0 : i32
    %dma_wait3A_276 = tpu.memref_slice %arg6[%dma_wait3A_273, %dma_wait3A_274, %dma_wait3A_275] : memref<7x128x128xf32, #tpu.memory_space<vmem>> -> memref<1x128x128xf32, #tpu.memory_space<vmem>>
    %dma_wait3A_277 = tpu.memref_squeeze %dma_wait3A_276 : memref<1x128x128xf32, #tpu.memory_space<vmem>> -> memref<128x128xf32, #tpu.memory_space<vmem>>
    %dma_wait3A_278 = arith.constant 0 : i32
    %dma_wait3A_279 = tpu.memref_slice %arg5[%dma_wait3A_272, %dma_wait3A_278] : memref<8x128xi32, #tpu.memory_space<vmem>> -> memref<1x128xi32, #tpu.memory_space<vmem>>
    %dma_wait3A_280 = tpu.memref_squeeze %dma_wait3A_279 : memref<1x128xi32, #tpu.memory_space<vmem>> -> memref<128xi32, #tpu.memory_space<vmem>>
    %dma_wait3A_281 = arith.constant 0 : i32
    %dma_wait3A_282 = arith.constant 0 : i32
    %dma_wait3A_283 = tpu.memref_slice %arg2[%dma_wait3A_281, %dma_wait3A_282] : memref<100000x128xf32, #tpu.memory_space<hbm>> -> memref<100000x128xf32, #tpu.memory_space<hbm>>
    tpu.wait_indirect_dma semaphore(%arg13 : memref<!tpu.dma_semaphore, #tpu.memory_space<semaphore_mem>>) src(%dma_wait3A_283 : memref<100000x128xf32, #tpu.memory_space<hbm>>) dst(%dma_wait3A_277 : memref<128x128xf32, #tpu.memory_space<vmem>>)
    %add3A_284 = arith.constant 768 : i32
    %add3A_285 = arith.addi %mul3A_2, %add3A_284 : i32
    %dma_start3A_286 = arith.constant 6 : i32
    %dma_start3A_287 = arith.constant 0 : i32
    %dma_start3A_288 = arith.constant 0 : i32
    %dma_start3A_289 = tpu.memref_slice %arg6[%dma_start3A_286, %dma_start3A_287, %dma_start3A_288] : memref<7x128x128xf32, #tpu.memory_space<vmem>> -> memref<1x128x128xf32, #tpu.memory_space<vmem>>
    %dma_start3A_290 = tpu.memref_squeeze %dma_start3A_289 : memref<1x128x128xf32, #tpu.memory_space<vmem>> -> memref<128x128xf32, #tpu.memory_space<vmem>>
    %dma_start3A_291 = arith.constant 0 : i32
    %dma_start3A_292 = tpu.memref_slice %arg4[%add3A_285, %dma_start3A_291] : memref<32768x128xf32, #tpu.memory_space<hbm>> -> memref<128x128xf32, #tpu.memory_space<hbm>>
    %dma_start3A_293 = arith.constant 0 : i32
    %dma_start3A_294 = tpu.memref_slice %arg4[%add3A_285, %dma_start3A_293] : memref<32768x128xf32, #tpu.memory_space<hbm>> -> memref<128x128xf32, #tpu.memory_space<hbm>>
    %dma_start3A_295 = arith.constant 0 : i32
    %dma_start3A_296 = arith.constant 0 : i32
    %dma_start3A_297 = tpu.memref_slice %arg6[%dma_start3A_286, %dma_start3A_295, %dma_start3A_296] : memref<7x128x128xf32, #tpu.memory_space<vmem>> -> memref<1x128x128xf32, #tpu.memory_space<vmem>>
    %dma_start3A_298 = tpu.memref_squeeze %dma_start3A_297 : memref<1x128x128xf32, #tpu.memory_space<vmem>> -> memref<128x128xf32, #tpu.memory_space<vmem>>
    tpu.enqueue_dma source(%dma_start3A_298 : memref<128x128xf32, #tpu.memory_space<vmem>>) target(%dma_start3A_294 : memref<128x128xf32, #tpu.memory_space<hbm>>) target_semaphore(%arg20 : memref<!tpu.dma_semaphore, #tpu.memory_space<semaphore_mem>>)
    %dma_wait3A_299 = arith.constant 7 : i32
    %dma_wait3A_300 = arith.constant 0 : i32
    %dma_wait3A_301 = arith.constant 0 : i32
    %dma_wait3A_302 = arith.constant 0 : i32
    %dma_wait3A_303 = tpu.memref_slice %arg6[%dma_wait3A_300, %dma_wait3A_301, %dma_wait3A_302] : memref<7x128x128xf32, #tpu.memory_space<vmem>> -> memref<1x128x128xf32, #tpu.memory_space<vmem>>
    %dma_wait3A_304 = tpu.memref_squeeze %dma_wait3A_303 : memref<1x128x128xf32, #tpu.memory_space<vmem>> -> memref<128x128xf32, #tpu.memory_space<vmem>>
    %dma_wait3A_305 = arith.constant 0 : i32
    %dma_wait3A_306 = tpu.memref_slice %arg5[%dma_wait3A_299, %dma_wait3A_305] : memref<8x128xi32, #tpu.memory_space<vmem>> -> memref<1x128xi32, #tpu.memory_space<vmem>>
    %dma_wait3A_307 = tpu.memref_squeeze %dma_wait3A_306 : memref<1x128xi32, #tpu.memory_space<vmem>> -> memref<128xi32, #tpu.memory_space<vmem>>
    %dma_wait3A_308 = arith.constant 0 : i32
    %dma_wait3A_309 = arith.constant 0 : i32
    %dma_wait3A_310 = tpu.memref_slice %arg2[%dma_wait3A_308, %dma_wait3A_309] : memref<100000x128xf32, #tpu.memory_space<hbm>> -> memref<100000x128xf32, #tpu.memory_space<hbm>>
    tpu.wait_indirect_dma semaphore(%arg7 : memref<!tpu.dma_semaphore, #tpu.memory_space<semaphore_mem>>) src(%dma_wait3A_310 : memref<100000x128xf32, #tpu.memory_space<hbm>>) dst(%dma_wait3A_304 : memref<128x128xf32, #tpu.memory_space<vmem>>)
    %add3A_311 = arith.constant 896 : i32
    %add3A_312 = arith.addi %mul3A_2, %add3A_311 : i32
    %dma_start3A_313 = arith.constant 0 : i32
    %dma_start3A_314 = arith.constant 0 : i32
    %dma_start3A_315 = arith.constant 0 : i32
    %dma_start3A_316 = tpu.memref_slice %arg6[%dma_start3A_313, %dma_start3A_314, %dma_start3A_315] : memref<7x128x128xf32, #tpu.memory_space<vmem>> -> memref<1x128x128xf32, #tpu.memory_space<vmem>>
    %dma_start3A_317 = tpu.memref_squeeze %dma_start3A_316 : memref<1x128x128xf32, #tpu.memory_space<vmem>> -> memref<128x128xf32, #tpu.memory_space<vmem>>
    %dma_start3A_318 = arith.constant 0 : i32
    %dma_start3A_319 = tpu.memref_slice %arg4[%add3A_312, %dma_start3A_318] : memref<32768x128xf32, #tpu.memory_space<hbm>> -> memref<128x128xf32, #tpu.memory_space<hbm>>
    %dma_start3A_320 = arith.constant 0 : i32
    %dma_start3A_321 = tpu.memref_slice %arg4[%add3A_312, %dma_start3A_320] : memref<32768x128xf32, #tpu.memory_space<hbm>> -> memref<128x128xf32, #tpu.memory_space<hbm>>
    %dma_start3A_322 = arith.constant 0 : i32
    %dma_start3A_323 = arith.constant 0 : i32
    %dma_start3A_324 = tpu.memref_slice %arg6[%dma_start3A_313, %dma_start3A_322, %dma_start3A_323] : memref<7x128x128xf32, #tpu.memory_space<vmem>> -> memref<1x128x128xf32, #tpu.memory_space<vmem>>
    %dma_start3A_325 = tpu.memref_squeeze %dma_start3A_324 : memref<1x128x128xf32, #tpu.memory_space<vmem>> -> memref<128x128xf32, #tpu.memory_space<vmem>>
    tpu.enqueue_dma source(%dma_start3A_325 : memref<128x128xf32, #tpu.memory_space<vmem>>) target(%dma_start3A_321 : memref<128x128xf32, #tpu.memory_space<hbm>>) target_semaphore(%arg14 : memref<!tpu.dma_semaphore, #tpu.memory_space<semaphore_mem>>)
    %dma_wait3A_326 = arith.constant 1 : i32
    %dma_wait3A_327 = arith.constant 0 : i32
    %dma_wait3A_328 = arith.constant 0 : i32
    %dma_wait3A_329 = tpu.memref_slice %arg6[%dma_wait3A_326, %dma_wait3A_327, %dma_wait3A_328] : memref<7x128x128xf32, #tpu.memory_space<vmem>> -> memref<1x128x128xf32, #tpu.memory_space<vmem>>
    %dma_wait3A_330 = tpu.memref_squeeze %dma_wait3A_329 : memref<1x128x128xf32, #tpu.memory_space<vmem>> -> memref<128x128xf32, #tpu.memory_space<vmem>>
    %dma_wait3A_331 = arith.constant 0 : i32
    %dma_wait3A_332 = tpu.memref_slice %arg4[%add3A_150, %dma_wait3A_331] : memref<32768x128xf32, #tpu.memory_space<hbm>> -> memref<128x128xf32, #tpu.memory_space<hbm>>
    %dma_wait3A_333 = arith.constant 0 : i32
    %dma_wait3A_334 = tpu.memref_slice %arg4[%add3A_150, %dma_wait3A_333] : memref<32768x128xf32, #tpu.memory_space<hbm>> -> memref<128x128xf32, #tpu.memory_space<hbm>>
    %dma_wait3A_335 = arith.constant 0 : i32
    %dma_wait3A_336 = arith.constant 0 : i32
    %dma_wait3A_337 = tpu.memref_slice %arg6[%dma_wait3A_326, %dma_wait3A_335, %dma_wait3A_336] : memref<7x128x128xf32, #tpu.memory_space<vmem>> -> memref<1x128x128xf32, #tpu.memory_space<vmem>>
    %dma_wait3A_338 = tpu.memref_squeeze %dma_wait3A_337 : memref<1x128x128xf32, #tpu.memory_space<vmem>> -> memref<128x128xf32, #tpu.memory_space<vmem>>
    tpu.wait_dma2 semaphore(%arg15 : memref<!tpu.dma_semaphore, #tpu.memory_space<semaphore_mem>>) src(%dma_wait3A_338 : memref<128x128xf32, #tpu.memory_space<vmem>>) dst(%dma_wait3A_334 : memref<128x128xf32, #tpu.memory_space<hbm>>)
    %dma_wait3A_339 = arith.constant 2 : i32
    %dma_wait3A_340 = arith.constant 0 : i32
    %dma_wait3A_341 = arith.constant 0 : i32
    %dma_wait3A_342 = tpu.memref_slice %arg6[%dma_wait3A_339, %dma_wait3A_340, %dma_wait3A_341] : memref<7x128x128xf32, #tpu.memory_space<vmem>> -> memref<1x128x128xf32, #tpu.memory_space<vmem>>
    %dma_wait3A_343 = tpu.memref_squeeze %dma_wait3A_342 : memref<1x128x128xf32, #tpu.memory_space<vmem>> -> memref<128x128xf32, #tpu.memory_space<vmem>>
    %dma_wait3A_344 = arith.constant 0 : i32
    %dma_wait3A_345 = tpu.memref_slice %arg4[%add3A_177, %dma_wait3A_344] : memref<32768x128xf32, #tpu.memory_space<hbm>> -> memref<128x128xf32, #tpu.memory_space<hbm>>
    %dma_wait3A_346 = arith.constant 0 : i32
    %dma_wait3A_347 = tpu.memref_slice %arg4[%add3A_177, %dma_wait3A_346] : memref<32768x128xf32, #tpu.memory_space<hbm>> -> memref<128x128xf32, #tpu.memory_space<hbm>>
    %dma_wait3A_348 = arith.constant 0 : i32
    %dma_wait3A_349 = arith.constant 0 : i32
    %dma_wait3A_350 = tpu.memref_slice %arg6[%dma_wait3A_339, %dma_wait3A_348, %dma_wait3A_349] : memref<7x128x128xf32, #tpu.memory_space<vmem>> -> memref<1x128x128xf32, #tpu.memory_space<vmem>>
    %dma_wait3A_351 = tpu.memref_squeeze %dma_wait3A_350 : memref<1x128x128xf32, #tpu.memory_space<vmem>> -> memref<128x128xf32, #tpu.memory_space<vmem>>
    tpu.wait_dma2 semaphore(%arg16 : memref<!tpu.dma_semaphore, #tpu.memory_space<semaphore_mem>>) src(%dma_wait3A_351 : memref<128x128xf32, #tpu.memory_space<vmem>>) dst(%dma_wait3A_347 : memref<128x128xf32, #tpu.memory_space<hbm>>)
    %dma_wait3A_352 = arith.constant 3 : i32
    %dma_wait3A_353 = arith.constant 0 : i32
    %dma_wait3A_354 = arith.constant 0 : i32
    %dma_wait3A_355 = tpu.memref_slice %arg6[%dma_wait3A_352, %dma_wait3A_353, %dma_wait3A_354] : memref<7x128x128xf32, #tpu.memory_space<vmem>> -> memref<1x128x128xf32, #tpu.memory_space<vmem>>
    %dma_wait3A_356 = tpu.memref_squeeze %dma_wait3A_355 : memref<1x128x128xf32, #tpu.memory_space<vmem>> -> memref<128x128xf32, #tpu.memory_space<vmem>>
    %dma_wait3A_357 = arith.constant 0 : i32
    %dma_wait3A_358 = tpu.memref_slice %arg4[%add3A_204, %dma_wait3A_357] : memref<32768x128xf32, #tpu.memory_space<hbm>> -> memref<128x128xf32, #tpu.memory_space<hbm>>
    %dma_wait3A_359 = arith.constant 0 : i32
    %dma_wait3A_360 = tpu.memref_slice %arg4[%add3A_204, %dma_wait3A_359] : memref<32768x128xf32, #tpu.memory_space<hbm>> -> memref<128x128xf32, #tpu.memory_space<hbm>>
    %dma_wait3A_361 = arith.constant 0 : i32
    %dma_wait3A_362 = arith.constant 0 : i32
    %dma_wait3A_363 = tpu.memref_slice %arg6[%dma_wait3A_352, %dma_wait3A_361, %dma_wait3A_362] : memref<7x128x128xf32, #tpu.memory_space<vmem>> -> memref<1x128x128xf32, #tpu.memory_space<vmem>>
    %dma_wait3A_364 = tpu.memref_squeeze %dma_wait3A_363 : memref<1x128x128xf32, #tpu.memory_space<vmem>> -> memref<128x128xf32, #tpu.memory_space<vmem>>
    tpu.wait_dma2 semaphore(%arg17 : memref<!tpu.dma_semaphore, #tpu.memory_space<semaphore_mem>>) src(%dma_wait3A_364 : memref<128x128xf32, #tpu.memory_space<vmem>>) dst(%dma_wait3A_360 : memref<128x128xf32, #tpu.memory_space<hbm>>)
    %dma_wait3A_365 = arith.constant 4 : i32
    %dma_wait3A_366 = arith.constant 0 : i32
    %dma_wait3A_367 = arith.constant 0 : i32
    %dma_wait3A_368 = tpu.memref_slice %arg6[%dma_wait3A_365, %dma_wait3A_366, %dma_wait3A_367] : memref<7x128x128xf32, #tpu.memory_space<vmem>> -> memref<1x128x128xf32, #tpu.memory_space<vmem>>
    %dma_wait3A_369 = tpu.memref_squeeze %dma_wait3A_368 : memref<1x128x128xf32, #tpu.memory_space<vmem>> -> memref<128x128xf32, #tpu.memory_space<vmem>>
    %dma_wait3A_370 = arith.constant 0 : i32
    %dma_wait3A_371 = tpu.memref_slice %arg4[%add3A_231, %dma_wait3A_370] : memref<32768x128xf32, #tpu.memory_space<hbm>> -> memref<128x128xf32, #tpu.memory_space<hbm>>
    %dma_wait3A_372 = arith.constant 0 : i32
    %dma_wait3A_373 = tpu.memref_slice %arg4[%add3A_231, %dma_wait3A_372] : memref<32768x128xf32, #tpu.memory_space<hbm>> -> memref<128x128xf32, #tpu.memory_space<hbm>>
    %dma_wait3A_374 = arith.constant 0 : i32
    %dma_wait3A_375 = arith.constant 0 : i32
    %dma_wait3A_376 = tpu.memref_slice %arg6[%dma_wait3A_365, %dma_wait3A_374, %dma_wait3A_375] : memref<7x128x128xf32, #tpu.memory_space<vmem>> -> memref<1x128x128xf32, #tpu.memory_space<vmem>>
    %dma_wait3A_377 = tpu.memref_squeeze %dma_wait3A_376 : memref<1x128x128xf32, #tpu.memory_space<vmem>> -> memref<128x128xf32, #tpu.memory_space<vmem>>
    tpu.wait_dma2 semaphore(%arg18 : memref<!tpu.dma_semaphore, #tpu.memory_space<semaphore_mem>>) src(%dma_wait3A_377 : memref<128x128xf32, #tpu.memory_space<vmem>>) dst(%dma_wait3A_373 : memref<128x128xf32, #tpu.memory_space<hbm>>)
    %dma_wait3A_378 = arith.constant 5 : i32
    %dma_wait3A_379 = arith.constant 0 : i32
    %dma_wait3A_380 = arith.constant 0 : i32
    %dma_wait3A_381 = tpu.memref_slice %arg6[%dma_wait3A_378, %dma_wait3A_379, %dma_wait3A_380] : memref<7x128x128xf32, #tpu.memory_space<vmem>> -> memref<1x128x128xf32, #tpu.memory_space<vmem>>
    %dma_wait3A_382 = tpu.memref_squeeze %dma_wait3A_381 : memref<1x128x128xf32, #tpu.memory_space<vmem>> -> memref<128x128xf32, #tpu.memory_space<vmem>>
    %dma_wait3A_383 = arith.constant 0 : i32
    %dma_wait3A_384 = tpu.memref_slice %arg4[%add3A_258, %dma_wait3A_383] : memref<32768x128xf32, #tpu.memory_space<hbm>> -> memref<128x128xf32, #tpu.memory_space<hbm>>
    %dma_wait3A_385 = arith.constant 0 : i32
    %dma_wait3A_386 = tpu.memref_slice %arg4[%add3A_258, %dma_wait3A_385] : memref<32768x128xf32, #tpu.memory_space<hbm>> -> memref<128x128xf32, #tpu.memory_space<hbm>>
    %dma_wait3A_387 = arith.constant 0 : i32
    %dma_wait3A_388 = arith.constant 0 : i32
    %dma_wait3A_389 = tpu.memref_slice %arg6[%dma_wait3A_378, %dma_wait3A_387, %dma_wait3A_388] : memref<7x128x128xf32, #tpu.memory_space<vmem>> -> memref<1x128x128xf32, #tpu.memory_space<vmem>>
    %dma_wait3A_390 = tpu.memref_squeeze %dma_wait3A_389 : memref<1x128x128xf32, #tpu.memory_space<vmem>> -> memref<128x128xf32, #tpu.memory_space<vmem>>
    tpu.wait_dma2 semaphore(%arg19 : memref<!tpu.dma_semaphore, #tpu.memory_space<semaphore_mem>>) src(%dma_wait3A_390 : memref<128x128xf32, #tpu.memory_space<vmem>>) dst(%dma_wait3A_386 : memref<128x128xf32, #tpu.memory_space<hbm>>)
    %dma_wait3A_391 = arith.constant 6 : i32
    %dma_wait3A_392 = arith.constant 0 : i32
    %dma_wait3A_393 = arith.constant 0 : i32
    %dma_wait3A_394 = tpu.memref_slice %arg6[%dma_wait3A_391, %dma_wait3A_392, %dma_wait3A_393] : memref<7x128x128xf32, #tpu.memory_space<vmem>> -> memref<1x128x128xf32, #tpu.memory_space<vmem>>
    %dma_wait3A_395 = tpu.memref_squeeze %dma_wait3A_394 : memref<1x128x128xf32, #tpu.memory_space<vmem>> -> memref<128x128xf32, #tpu.memory_space<vmem>>
    %dma_wait3A_396 = arith.constant 0 : i32
    %dma_wait3A_397 = tpu.memref_slice %arg4[%add3A_285, %dma_wait3A_396] : memref<32768x128xf32, #tpu.memory_space<hbm>> -> memref<128x128xf32, #tpu.memory_space<hbm>>
    %dma_wait3A_398 = arith.constant 0 : i32
    %dma_wait3A_399 = tpu.memref_slice %arg4[%add3A_285, %dma_wait3A_398] : memref<32768x128xf32, #tpu.memory_space<hbm>> -> memref<128x128xf32, #tpu.memory_space<hbm>>
    %dma_wait3A_400 = arith.constant 0 : i32
    %dma_wait3A_401 = arith.constant 0 : i32
    %dma_wait3A_402 = tpu.memref_slice %arg6[%dma_wait3A_391, %dma_wait3A_400, %dma_wait3A_401] : memref<7x128x128xf32, #tpu.memory_space<vmem>> -> memref<1x128x128xf32, #tpu.memory_space<vmem>>
    %dma_wait3A_403 = tpu.memref_squeeze %dma_wait3A_402 : memref<1x128x128xf32, #tpu.memory_space<vmem>> -> memref<128x128xf32, #tpu.memory_space<vmem>>
    tpu.wait_dma2 semaphore(%arg20 : memref<!tpu.dma_semaphore, #tpu.memory_space<semaphore_mem>>) src(%dma_wait3A_403 : memref<128x128xf32, #tpu.memory_space<vmem>>) dst(%dma_wait3A_399 : memref<128x128xf32, #tpu.memory_space<hbm>>)
    %dma_wait3A_404 = arith.constant 0 : i32
    %dma_wait3A_405 = arith.constant 0 : i32
    %dma_wait3A_406 = arith.constant 0 : i32
    %dma_wait3A_407 = tpu.memref_slice %arg6[%dma_wait3A_404, %dma_wait3A_405, %dma_wait3A_406] : memref<7x128x128xf32, #tpu.memory_space<vmem>> -> memref<1x128x128xf32, #tpu.memory_space<vmem>>
    %dma_wait3A_408 = tpu.memref_squeeze %dma_wait3A_407 : memref<1x128x128xf32, #tpu.memory_space<vmem>> -> memref<128x128xf32, #tpu.memory_space<vmem>>
    %dma_wait3A_409 = arith.constant 0 : i32
    %dma_wait3A_410 = tpu.memref_slice %arg4[%add3A_312, %dma_wait3A_409] : memref<32768x128xf32, #tpu.memory_space<hbm>> -> memref<128x128xf32, #tpu.memory_space<hbm>>
    %dma_wait3A_411 = arith.constant 0 : i32
    %dma_wait3A_412 = tpu.memref_slice %arg4[%add3A_312, %dma_wait3A_411] : memref<32768x128xf32, #tpu.memory_space<hbm>> -> memref<128x128xf32, #tpu.memory_space<hbm>>
    %dma_wait3A_413 = arith.constant 0 : i32
    %dma_wait3A_414 = arith.constant 0 : i32
    %dma_wait3A_415 = tpu.memref_slice %arg6[%dma_wait3A_404, %dma_wait3A_413, %dma_wait3A_414] : memref<7x128x128xf32, #tpu.memory_space<vmem>> -> memref<1x128x128xf32, #tpu.memory_space<vmem>>
    %dma_wait3A_416 = tpu.memref_squeeze %dma_wait3A_415 : memref<1x128x128xf32, #tpu.memory_space<vmem>> -> memref<128x128xf32, #tpu.memory_space<vmem>>
    tpu.wait_dma2 semaphore(%arg14 : memref<!tpu.dma_semaphore, #tpu.memory_space<semaphore_mem>>) src(%dma_wait3A_416 : memref<128x128xf32, #tpu.memory_space<vmem>>) dst(%dma_wait3A_412 : memref<128x128xf32, #tpu.memory_space<hbm>>)
    return
  }
}

module attributes {stable_mosaic.version = 14 : i64} {
  func.func @body(%arg0: i32, %arg1: memref<8192x128xf32, #tpu.memory_space<vmem>>, %arg2: memref<8192x128xf32, #tpu.memory_space<vmem>>, %arg3: memref<128x256xf32, #tpu.memory_space<vmem>>, %arg4: memref<1x128xf32, #tpu.memory_space<vmem>>, %arg5: memref<8192x128xf32, #tpu.memory_space<vmem>>) attributes {dimension_semantics = [#tpu.dimension_semantics<arbitrary>], iteration_bounds = array<i64: 2>, scalar_prefetch = 0 : i64, scratch_operands = 0 : i64, tpu.core_type = #tpu.core_type<tc>, window_params = [{transform_indices = @transform_0, window_bounds = array<i64: 8192, 128>}, {transform_indices = @transform_1, window_bounds = array<i64: 8192, 128>}, {pipeline_mode = #tpu.pipeline_mode<synchronous>, transform_indices = @transform_2, window_bounds = array<i64: 128, 256>}, {pipeline_mode = #tpu.pipeline_mode<synchronous>, transform_indices = @transform_3, window_bounds = array<i64: 1, 128>}, {transform_indices = @transform_4, window_bounds = array<i64: 8192, 128>}]} {
    %get3A = arith.constant 0 : index
    %get3A_0 = arith.constant 0 : index
    %get3A_1 = vector.load %arg1[%get3A, %get3A_0] : memref<8192x128xf32, #tpu.memory_space<vmem>>, vector<8192x128xf32>
    %get3A_2 = arith.constant 0 : index
    %get3A_3 = arith.constant 0 : index
    %get3A_4 = vector.load %arg3[%get3A_2, %get3A_3] : memref<128x256xf32, #tpu.memory_space<vmem>>, vector<128x128xf32>
    %dot_general3A = arith.constant dense<0.000000e+00> : vector<8192x128xf32>
    %dot_general3A_5 = tpu.matmul %get3A_1, %get3A_4, %dot_general3A {dimension_numbers = #tpu.dot_dimension_numbers<[1], [1], [0], [0], [0, 0, 1, 0], [], []>, transpose_lhs_hint = false} : vector<8192x128xf32>, vector<128x128xf32>, vector<8192x128xf32> -> vector<8192x128xf32>
    %get3A_6 = arith.constant 0 : index
    %get3A_7 = arith.constant 0 : index
    %get3A_8 = vector.load %arg2[%get3A_6, %get3A_7] : memref<8192x128xf32, #tpu.memory_space<vmem>>, vector<8192x128xf32>
    %get3A_9 = arith.constant 0 : index
    %get3A_10 = arith.constant 128 : index
    %get3A_11 = vector.load %arg3[%get3A_9, %get3A_10] : memref<128x256xf32, #tpu.memory_space<vmem>>, vector<128x128xf32>
    %dot_general3A_12 = arith.constant dense<0.000000e+00> : vector<8192x128xf32>
    %dot_general3A_13 = tpu.matmul %get3A_8, %get3A_11, %dot_general3A_12 {dimension_numbers = #tpu.dot_dimension_numbers<[1], [1], [0], [0], [0, 0, 1, 0], [], []>, transpose_lhs_hint = false} : vector<8192x128xf32>, vector<128x128xf32>, vector<8192x128xf32> -> vector<8192x128xf32>
    %add3A = arith.addf %dot_general3A_5, %dot_general3A_13 : vector<8192x128xf32>
    %get3A_14 = arith.constant 0 : index
    %get3A_15 = arith.constant 0 : index
    %get3A_16 = vector.load %arg4[%get3A_14, %get3A_15] : memref<1x128xf32, #tpu.memory_space<vmem>>, vector<1x128xf32>
    %add3A_17 = vector.broadcast %get3A_16 : vector<1x128xf32> to vector<8192x128xf32>
    %add3A_18 = arith.addf %add3A, %add3A_17 : vector<8192x128xf32>
    %swap3A = arith.constant 0 : index
    %swap3A_19 = arith.constant 0 : index
    %swap3A_20 = vector.load %arg5[%swap3A, %swap3A_19] : memref<8192x128xf32, #tpu.memory_space<vmem>>, vector<8192x128xf32>
    tpu.vector_store %arg5[%swap3A, %swap3A_19], %add3A_18 {strides = array<i32>} : memref<8192x128xf32, #tpu.memory_space<vmem>>, vector<8192x128xf32>,
    return
  }
  func.func @transform_0(%arg0: i32) -> (i32, i32) {
    %c0_i32 = arith.constant 0 : i32
    %c0_i32_0 = arith.constant 0 : i32
    return %arg0, %c0_i32 : i32, i32
  }
  func.func @transform_1(%arg0: i32) -> (i32, i32) {
    %add3A = arith.constant 2 : i32
    %add3A_0 = arith.addi %arg0, %add3A : i32
    %c0_i32 = arith.constant 0 : i32
    %c0_i32_1 = arith.constant 0 : i32
    return %add3A_0, %c0_i32 : i32, i32
  }
  func.func @transform_2(%arg0: i32) -> (i32, i32) {
    %c0_i32 = arith.constant 0 : i32
    %c0_i32_0 = arith.constant 0 : i32
    %c0_i32_1 = arith.constant 0 : i32
    return %c0_i32, %c0_i32_0 : i32, i32
  }
  func.func @transform_3(%arg0: i32) -> (i32, i32) {
    %c0_i32 = arith.constant 0 : i32
    %c0_i32_0 = arith.constant 0 : i32
    %c0_i32_1 = arith.constant 0 : i32
    return %c0_i32, %c0_i32_0 : i32, i32
  }
  func.func @transform_4(%arg0: i32) -> (i32, i32) {
    %c0_i32 = arith.constant 0 : i32
    %c0_i32_0 = arith.constant 0 : i32
    return %arg0, %c0_i32 : i32, i32
  }
}

</mosaic_0001>

<sc_bundles>
// kernel: kernel.4.cloned.1.call-start
scs
__scs_entry_jumppad:
0x0: {  	(pc) =	sbr.rel $0x88, $3  }
0x1: {  	(tag) =	ssettag $0x0;
	lr =	simm.s32 $0x1  }
0x2: {  	[smem:$0x3F9D] =	sst lr;
	_ =	strace $0xD0000000  }
0x3: {  	_ = 	snop  }
0x4: {  	_ = 	snop  }
0x5: {  	_ = 	snop  }
0x6: {  	_ = 	snop  }
0x7: {  	_ = 	snop  }
__scs_overlays_trampoline_lowered:
0x8: {  	[smem:$0x3FAC] =	sst s0  }
0x9: {  	[smem:$0x3FAD] =	sst s1  }
0xa: {  	[smem:$0x3FAE] =	sst s2  }
0xb: {  	[smem:$0x3FAF] =	sst s3  }
0xc: {  	[smem:$0x3FB0] =	sst s4  }
0xd: {  	[smem:$0x3FB1] =	sst s5  }
0xe: {  	[smem:$0x3FB2] =	sst s6  }
0xf: {  	[smem:$0x3FB3] =	sst s7  }
0x10: {  	[smem:$0x3FB4] =	sst s8  }
0x11: {  	[smem:$0x3FB5] =	sst s9;
	s0 =	simm.s32 @!p0 $0x0  }
0x12: {  	s1 =	sld [smem:$0x3F9B];
	s0 =	simm.s32 @p0 $0x1  }
0x13: {  	[smem:$0x3FB6] =	sst s0;
	s0 =	simm.s32 @!p1 $0x0  }
0x14: {  	s2 =	sld [smem:$0x3F9A];
	s0 =	simm.s32 @p1 $0x1  }
0x15: {  	[smem:$0x3FB7] =	sst s0;
	s0 =	simm.s32 @!p2 $0x0  }
0x16: {  	s3 =	sld [smem:$0x3FDB];
	s0 =	simm.s32 @p2 $0x1  }
0x17: {  	s4 =	simm.s32 $0x1BF5;
	[smem:$0x3FB9] =	sst s0  }
0x18: {  	s0 =	sld [smem:$0x3F9C];
	_ =	swait.ge [sflag:s4], $0x0  }
0x19: {  	s7 =	sld [smem:$0x3F9D]  }
0x1a: {  	s8 =	sadd.s32 $0xFFFFE003, lr  }
0x1b: {  	s9 =	sadd.s32 $0xFFFFFEF7, lr;
	s5 =	simm.s32 $0xFFFFFFFF;
	p2 =	slt.u32 s8, $0xFFFFF086  }
0x1c: {  	p1 =	slt.u32 s9, $0xF7A;
	s5 =	simm.s32 @!p2 $0x0  }
0x1d: {  	s5 =	simm.s32 @p1 $0x1;
	p0 =	seq.s32 s7, s2  }
0x1e: {  	s7 =	smul.u32 @!p0 $0xF7A, s2;
	p2 =	seq.s32 @!p0 s5, $0x0  }
0x1f: {  	s9 =	smul.u32 $0xF7A, s1;
	s8 =	simm.s32 @!p0 $0x1BF5;
	p2 =	por !p2, p0  }
0x20: {  	[sflag:s8] =	ssyncset.s32 @!p0 $0xFFFFF086;
	s6 =	sadd.s32 @!p0 s3, s7;
	s7 =	simm.s32 @!p0 $0x108  }
0x21: {  	s3 =	sadd.s32 s3, s9;
	s6 =	sadd.s32 @!p0 $0x88, s6;
	s7 =	simm.s32 @p2 $0x1082  }
0x22: {  	[simem:s7], [sflag:s8] =	dma.local @!p0 [hbm:s6], $0xF7A  }
0x23: {  	s9 =	sor.u32 $0xD0000000, s2;
	s6 =	simm.s32 $0x108;
	_ =	swait.ge @!p0 [sflag:s8], $0x0  }
0x24: {  	s3 =	sadd.s32 $0x88, s3;
	s6 =	simm.s32 @!p1 $0x1082;
	[sflag:s4] =	ssyncset.s32 $0xFFFFF086  }
0x25: {  	[simem:s6], [sflag:s4] =	dma.local [hbm:s3], $0xF7A  }
0x26: {  	[smem:$0x3F9D] =	sst s1;
	(tag) =	ssettag s2;
	_ =	strace s9  }
0x27: {  	s1 =	sld [smem:$0x3FAD]  }
0x28: {  	s2 =	sld [smem:$0x3FAE]  }
0x29: {  	s4 =	sld [smem:$0x3FB0]  }
0x2a: {  	p0 =	seq.s32 s5, $0x0;
	s5 =	sld [smem:$0x3FB1]  }
0x2b: {  	s6 =	sld [smem:$0x3FB2]  }
0x2c: {  	s7 =	sld [smem:$0x3FB3]  }
0x2d: {  	s3 =	simm.s32 $0x108;
	s8 =	sld [smem:$0x3FB4]  }
0x2e: {  	s3 =	simm.s32 @!p0 $0x1082;
	s9 =	sld [smem:$0x3FB5]  }
0x2f: {  	lr =	sadd.s32 s0, s3;
	s0 =	sld [smem:$0x3FAC]  }
0x30: {  	s3 =	sld [smem:$0x3FAF]  }
0x31: {  	[smem:$0x3FB8] =	sst s10  }
0x32: {  	s10 =	sld [smem:$0x3FB6];
	_ =	sdelay $0x3  }
0x33: {  	p0 =	seq.s32 s10, $0x1;
	s10 =	sld [smem:$0x3FB8];
	_ =	sdelay $0x3  }
0x34: {  	[smem:$0x3FB8] =	sst s10  }
0x35: {  	s10 =	sld [smem:$0x3FB7];
	_ =	sdelay $0x3  }
0x36: {  	p1 =	seq.s32 s10, $0x1;
	s10 =	sld [smem:$0x3FB8];
	_ =	sdelay $0x3  }
0x37: {  	[smem:$0x3FB8] =	sst s10  }
0x38: {  	s10 =	sld [smem:$0x3FB9]  }
0x39: {  	_ = 	snop;
	(pc) =	sbr.ind lr, $3  }
0x3a: {  	_ = 	snop  }
0x3b: {  	_ = 	snop  }
0x3c: {  	p2 =	seq.s32 s10, $0x1;
	s10 =	sld [smem:$0x3FB8]  }
0x3d: {  	_ =	shalt  }
0x3e: {  	_ =	shalt  }
0x3f: {  	_ =	shalt  }
0x40: {  	_ =	shalt  }
0x41: {  	_ =	shalt  }
0x42: {  	_ =	shalt  }
0x43: {  	_ =	shalt  }
0x44: {  	_ =	shalt  }
0x45: {  	_ =	shalt  }
0x46: {  	_ =	shalt  }
0x47: {  	_ =	shalt  }
0x48: {  	_ =	shalt  }
0x49: {  	_ =	shalt  }
0x4a: {  	_ =	shalt  }
0x4b: {  	_ =	shalt  }
0x4c: {  	_ =	shalt  }
0x4d: {  	_ =	shalt  }
0x4e: {  	_ =	shalt  }
0x4f: {  	_ =	shalt  }
0x50: {  	_ =	shalt  }
0x51: {  	_ =	shalt  }
0x52: {  	_ =	shalt  }
0x53: {  	_ =	shalt  }
0x54: {  	_ =	shalt  }
0x55: {  	_ =	shalt  }
0x56: {  	_ =	shalt  }
0x57: {  	_ =	shalt  }
0x58: {  	_ =	shalt  }
0x59: {  	_ =	shalt  }
0x5a: {  	_ =	shalt  }
0x5b: {  	_ =	shalt  }
0x5c: {  	_ =	shalt  }
0x5d: {  	_ =	shalt  }
0x5e: {  	_ =	shalt  }
0x5f: {  	_ =	shalt  }
0x60: {  	_ =	shalt  }
0x61: {  	_ =	shalt  }
0x62: {  	_ =	shalt  }
0x63: {  	_ =	shalt  }
0x64: {  	_ =	shalt  }
0x65: {  	_ =	shalt  }
0x66: {  	_ =	shalt  }
0x67: {  	_ =	shalt  }
0x68: {  	_ =	shalt  }
0x69: {  	_ =	shalt  }
0x6a: {  	_ =	shalt  }
0x6b: {  	_ =	shalt  }
0x6c: {  	_ =	shalt  }
0x6d: {  	_ =	shalt  }
0x6e: {  	_ =	shalt  }
0x6f: {  	_ =	shalt  }
0x70: {  	_ =	shalt  }
0x71: {  	_ =	shalt  }
0x72: {  	_ =	shalt  }
0x73: {  	_ =	shalt  }
0x74: {  	_ =	shalt  }
0x75: {  	_ =	shalt  }
0x76: {  	_ =	shalt  }
0x77: {  	_ =	shalt  }
0x78: {  	_ =	shalt  }
0x79: {  	_ =	shalt  }
0x7a: {  	_ =	shalt  }
0x7b: {  	_ =	shalt  }
0x7c: {  	_ =	shalt  }
0x7d: {  	_ =	shalt  }
0x7e: {  	_ =	shalt  }
0x7f: {  	_ =	shalt  }
0x80: {  	_ =	shalt  }
0x81: {  	_ =	shalt  }
0x82: {  	_ =	shalt  }
0x83: {  	_ =	shalt  }
0x84: {  	_ =	shalt  }
0x85: {  	_ =	shalt  }
0x86: {  	_ =	shalt  }
0x87: {  	_ =	shalt  }
.Lfunc_end0:
.L_simem_size_0:
called_computation_lowered:
.L_overlay_start_0:
0x88: {  	s2 =	sld [smem:$0x3FD9]  }
0x89: {  	s3 =	sld [smem:$0x3FFE];
	_ =	sdelay $0x1  }
0x8a: {  	s1 =	srdreg.scid  }
0x8b: {  	s0 =	sand.u32 $0x1, s1  }
0x8c: {  	s17 =	sshll.u32 s0, $0xA;
	s2 =	sadd.s32 s3, s2  }
0x8d: {  	s2 =	sadd.s32 s2, s17  }
0x8e: {  	[smem:$0x3FC4] =	sst s2  }
0x8f: {  	_ = 	snop  }
0x90: {  	s2 =	sld [smem:$0x3FC8]  }
0x91: {  	s18 =	sld [smem:$0x3FD0];
	(tm) =	ssettm $0x1  }
0x92: {  	s4 =	sld [smem:$0x3FFB];
	_ =	sdelay $0x3  }
0x93: {  	_ =	strace s4  }
0x94: {  	s4 =	sld [smem:$0x3FFC];
	_ =	sdelay $0x3  }
0x95: {  	_ =	strace s4  }
0x96: {  	s4 =	sld [smem:$0x3FFD];
	_ =	sdelay $0x3  }
0x97: {  	_ =	strace s4  }
0x98: {  	_ =	strace $0x8FFFFFFF  }
0x99: {  	s19 =	sld [smem:$0x3FDB];
	_ =	sdelay $0x1  }
0x9a: {  	s5 =	simm.s32 $_scs_section_size  }
0x9b: {  	s6 =	simm.s32 $_size__tile_overlayer_lowered;
	s7 =	simm.s32 $_tile_overlayer_lowered  }
0x9c: {  	s22 =	simm.s32 $0x1BFF;
	s21 =	sshll.u32 s7, $0x1;
	s4 =	sadd.s32 s5, s19  }
0x9d: {  	s8 =	simm.s32 $0x0;
	s20 =	sshll.u32 s6, $0x1;
	s6 =	sadd.s32 s21, s4  }
0x9e: {  	[timem:s8], [sflag:s22] =	dma.local [hbm:s6], s20  }
0x9f: {  	_ =	swait.ge [sflag:s22], s20  }
0xa0: {  	s5 =	ssub.s32 $0x0, s20;
	[sflag:s22] =	ssyncset.done $0x0  }
0xa1: {  	[sflag:s22] =	ssyncadd.s32 s5;
	_ =	sdelay $0x1  }
0xa2: {  	s23 =	simm.s32 $0x1B8B  }
0xa3: {  	_ =	swait.ge [sflag:s23], $0x1  }
0xa4: {  	[sflag:s23] =	ssyncset.done $0x0  }
0xa5: {  	s25 =	simm.s32 $0x1B8E;
	s24 =	sld [smem:$0x3FFE];
	[sflag:s23] =	ssyncadd.s32 $0xFFFFFFFF  }
0xa6: {  	s26 =	simm.s32 $execute0_lowered;
	[smem:$0x3FD2] =	sst s25  }
0xa7: {  	s6 =	sshll.u32 s26, $0x1;
	_ =	strace $0x80000046;
	[dreg:$0x1] =	wrdreg $0xFFFFFFFF  }
0xa8: {  	s28 =	simm.s32 $_size_execute0_lowered;
	s4 =	sadd.s32 s4, s6;
	[dreg:$0x0] =	wrdreg $0x0  }
0xa9: {  	s6 =	sshll.u32 s28, $0x1;
	[dreg:$0x2] =	wrdreg s4  }
0xaa: {  	[dreg:$0x3] =	wrdreg s6  }
0xab: {  	[dreg:$0x4] =	wrdreg $0xC0  }
0xac: {  	_ =	task [dreg:s8], $0x5FFFF  }
0xad: {  	[dreg:$0x1] =	wrdreg $0xFFFFFFFF  }
0xae: {  	[dreg:$0x0] =	wrdreg $0x60  }
0xaf: {  	[dreg:$0x2] =	wrdreg s2  }
0xb0: {  	[dreg:$0x3] =	wrdreg s18  }
0xb1: {  	[dreg:$0x4] =	wrdreg s24  }
0xb2: {  	[dreg:$0x5] =	wrdreg $0x9  }
0xb3: {  	_ =	task.clear_ibuf [dreg:s8], $0x6FFFF;
	_ =	strace $0x90000046  }
0xb4: {  	s29 =	simm.s32 $0x9;
	_ =	strace $0x80000048  }
0xb5: {  	_ =	swait.ge [sflag:s29], $0x1  }
0xb6: {  	[sflag:s29] =	ssyncadd.s32 $0xFFFFFFFF  }
0xb7: {  	_ =	strace $0x90000048  }
0xb8: {  	_ =	sfence  }
0xb9: {  	s30 =	sld [smem:$0x0];
	_ =	sdelay $0x2  }
0xba: {  	s31 =	sshll.u32 s1, $0xD;
	s1 =	sshrl.u32 s1, $0x2  }
0xbb: {  	s3 =	sand.u32 $0x4000, s31;
	s1 =	sadd.s32 s1, s30  }
0xbc: {  	s0 =	sor.u32 s3, s0;
	s1 =	sshll.u32 s1, $0x11  }
0xbd: {  	s0 =	sor.u32 s1, s0  }
0xbe: {  	s0 =	sadd.s32 $0x8F2B, s0  }
0xbf: {  	[sflag:s0] =	ssyncadd.remote.s32 $0x1  }
0xc0: {  	_ =	sfence.sel $0xFFFF  }
0xc1: {  	[dreg:$0x0] =	wrdreg $0xFFFFFFFF;
	(pc) =	sbr.abs _section_cstart, $3  }
0xc2: {  	[dreg:$0x1] =	wrdreg $0xFFFFFFFF  }
0xc3: {  	_ =	task.clear_ibuf [dreg:s8], $0x2FFFF;
	_ =	strace $0x9FFFFFFF  }
0xc4: {  	(tm) =	ssettm $0x7FFFFFFF  }
0xc5: {  	_ =	shalt  }
tec
execute0_lowered:
.L_overlay_start_1:
0x0: {  	(tag) =	ssettag $0x1  }
0x1: {  	s4 =	rddreg [dreg:$0x0]  }
0x2: {  	s0 =	srdreg.scid;
	s1 =	rddreg [dreg:$0x1]  }
0x3: {  	s2 =	stileid.u32;
	s3 =	rddreg [dreg:$0x2];
	s26 =	simm.s32 $0xF  }
0x4: {  	s24 =	simm.s32 $0x100;
	s25 =	simm.s32 $0x180;
	s31 =	simm.s32 $0x280  }
0x5: {  	s12 =	simm.s32 $0x14400;
	s30 =	simm.s32 $0x300;
	s10 =	simm.s32 $0x18400  }
0x6: {  	s7 =	simm.s32 $0x1;
	s29 =	simm.s32 $0x380;
	p0 =	por $0x0, $0x0  }
0x7: {  	s14 =	simm.s32 $0x9;
	s13 =	simm.s32 $0xA;
	s11 =	simm.s32 $0xB  }
0x8: {  	s9 =	simm.s32 $0xC;
	s8 =	simm.s32 $0xD;
	s0 =	sand.u32 $0x1, s0  }
0x9: {  	s5 =	sshll.u32 s2, $0xB;
	s2 =	simm.s32 $0x0;
	s6 =	sshll.u32 s0, $0xA  }
0xa: {  	[smem:$0x7FF] =	sst s2;
	s0 =	ssub.s32 $0x2, s0;
	s5 =	sor.u32 s6, s5  }
0xb: {  	_ =	strace $0x80000047;
	s22 =	sshrl.u32 s0, $0x1;
	[dreg:$0xd] =	wrdreg s24  }
0xc: {  	[dreg:$0xe] =	wrdreg s25;
	s6 =	sshll.u32 s5, $0x4;
	s5 =	sshrl.u32 s5, $0x3  }
0xd: {  	s25 =	simm.s32 $0x2;
	s3 =	sadd.s32 s6, s3;
	s1 =	sadd.s32 s1, s5  }
0xe: {  	s24 =	simm.s32 $0x3;
	[dreg:$0x4] =	wrdreg s1;
	s15 =	sadd.s32 $0xA00, s3  }
0xf: {  	s0 =	ssub.s32 s0, s22;
	s16 =	sadd.s32 $0x1200, s3;
	[dreg:$0x5] =	wrdreg s15  }
0x10: {  	s22 =	simm.s32 $0x5;
	s17 =	sadd.s32 $0x1A00, s3;
	[dreg:$0x6] =	wrdreg s16  }
0x11: {  	s0 =	smax.u32 s0, $0x1;
	s18 =	sadd.s32 $0x2200, s3;
	[dreg:$0x7] =	wrdreg s17  }
0x12: {  	s5 =	simm.s32 $0x400;
	s19 =	sadd.s32 $0x2A00, s3;
	[dreg:$0x8] =	wrdreg s18  }
0x13: {  	s6 =	simm.s32 $0xE;
	s20 =	sadd.s32 $0x3200, s3;
	[dreg:$0x9] =	wrdreg s19  }
0x14: {  	s21 =	sadd.s32 $0x3A00, s3;
	p1 =	sne.s32 s0, $0x1;
	[dreg:$0xa] =	wrdreg s20  }
.Ltmp0:
0x15: {  	s23 =	sadd.s32 $0x4200, s3;
	[dreg:$0xb] =	wrdreg s21;
	(pc) =	sbr.rel @!p1 .LBB2_1-.Ltmp0, $4  }
0x16: {  	s3 =	simm.s32 $0x8;
	s28 =	sadd.s32 $0xFFFFFFFF, s0;
	[dreg:$0xc] =	wrdreg s23  }
0x17: {  	s21 =	simm.s32 $0x80;
	s19 =	simm.s32 $0x4400;
	s18 =	simm.s32 $0x8400  }
0x18: {  	s16 =	simm.s32 $0xC400;
	s15 =	simm.s32 $0x10400;
	s23 =	simm.s32 $0x4  }
0x19: {  	s20 =	simm.s32 $0x6;
	s17 =	simm.s32 $0x7;
	s0 =	rddreg [dreg:$0x4]  }
0x1a: {  	[tilespmem:s2], [sflag:$0xF] =	stream.linear.gather [hbm4b:s0+s2], $0x400, $0x38;
	[tilespmem:$0x1C400] =	vst v63  }
0x1b: {  	_ =	swait.ge [sflag:s26], $0x400  }
0x1c: {  	[sflag:s26] =	ssyncset.done $0x0  }
0x1d: {  	[sflag:s26] =	ssyncadd.s32 $0xFFFFFC00  }
0x1e: {  	[tilespmem:s5], [sflag:$0x1] =	stream.indirect.gather [hbm4b:s4+s21], $0x80, s2, s21, $0xb8;
	[tilespmem:$0x1C400] =	vst v63  }
0x1f: {  	_ = 	snop  }
0x20: {  	[tilespmem:s19], [sflag:$0x2] =	stream.indirect.gather [hbm4b:s4+s21], $0x80, s21, s21, $0xb8;
	[tilespmem:$0x1C400] =	vst v63  }
0x21: {  	s0 =	rddreg [dreg:$0xd]  }
0x22: {  	[tilespmem:s18], [sflag:$0x3] =	stream.indirect.gather [hbm4b:s4+s21], $0x80, s0, s21, $0xb8;
	[tilespmem:$0x1C400] =	vst v63  }
0x23: {  	s1 =	rddreg [dreg:$0xe]  }
0x24: {  	[tilespmem:s16], [sflag:$0x4] =	stream.indirect.gather [hbm4b:s4+s21], $0x80, s1, s21, $0xb8;
	[tilespmem:$0x1C400] =	vst v63  }
0x25: {  	s1 =	simm.s32 $0x200  }
0x26: {  	[tilespmem:s15], [sflag:$0x5] =	stream.indirect.gather [hbm4b:s4+s21], $0x80, s1, s21, $0xb8;
	[tilespmem:$0x1C400] =	vst v63  }
0x27: {  	_ = 	snop  }
0x28: {  	[tilespmem:s12], [sflag:$0x6] =	stream.indirect.gather [hbm4b:s4+s21], $0x80, s31, s21, $0xb8;
	[tilespmem:$0x1C400] =	vst v63  }
0x29: {  	_ = 	snop  }
0x2a: {  	[tilespmem:s10], [sflag:$0x7] =	stream.indirect.gather [hbm4b:s4+s21], $0x80, s30, s21, $0xb8;
	[tilespmem:$0x1C400] =	vst v63  }
0x2b: {  	_ =	swait.ge [sflag:s7], $0x4000  }
0x2c: {  	[sflag:s7] =	ssyncset.done $0x0  }
0x2d: {  	s1 =	rddreg [dreg:$0x5];
	[sflag:s7] =	ssyncadd.s32 $0xFFFFC000  }
0x2e: {  	[hbm4b:s1+s2] =	stream.linear.scatter [tilespmem:s5], [sflag:$0x8], $0x4000, $0x38;
	[tilespmem:$0x1C400] =	vst v63  }
0x2f: {  	_ =	swait.ge [sflag:s3], $0x4000  }
0x30: {  	[sflag:s3] =	ssyncset.done $0x0  }
0x31: {  	[sflag:s3] =	ssyncadd.s32 $0xFFFFC000  }
0x32: {  	[tilespmem:s5], [sflag:$0x1] =	stream.indirect.gather [hbm4b:s4+s21], $0x80, s29, s21, $0xb8;
	[tilespmem:$0x1C400] =	vst v63  }
0x33: {  	_ =	swait.ge [sflag:s25], $0x4000  }
0x34: {  	[sflag:s25] =	ssyncset.done $0x0  }
0x35: {  	s1 =	rddreg [dreg:$0x6];
	[sflag:s25] =	ssyncadd.s32 $0xFFFFC000  }
0x36: {  	[hbm4b:s1+s2] =	stream.linear.scatter [tilespmem:s19], [sflag:$0x9], $0x4000, $0x38;
	[tilespmem:$0x1C400] =	vst v63  }
0x37: {  	_ =	swait.ge [sflag:s24], $0x4000  }
0x38: {  	[sflag:s24] =	ssyncset.done $0x0  }
0x39: {  	s1 =	rddreg [dreg:$0x7];
	[sflag:s24] =	ssyncadd.s32 $0xFFFFC000  }
0x3a: {  	[hbm4b:s1+s2] =	stream.linear.scatter [tilespmem:s18], [sflag:$0xA], $0x4000, $0x38;
	[tilespmem:$0x1C400] =	vst v63  }
0x3b: {  	_ =	swait.ge [sflag:s23], $0x4000  }
0x3c: {  	[sflag:s23] =	ssyncset.done $0x0  }
0x3d: {  	s1 =	rddreg [dreg:$0x8];
	[sflag:s23] =	ssyncadd.s32 $0xFFFFC000  }
0x3e: {  	[hbm4b:s1+s2] =	stream.linear.scatter [tilespmem:s16], [sflag:$0xB], $0x4000, $0x38;
	[tilespmem:$0x1C400] =	vst v63  }
0x3f: {  	_ =	swait.ge [sflag:s22], $0x4000  }
0x40: {  	[sflag:s22] =	ssyncset.done $0x0  }
0x41: {  	s1 =	rddreg [dreg:$0x9];
	[sflag:s22] =	ssyncadd.s32 $0xFFFFC000  }
0x42: {  	[hbm4b:s1+s2] =	stream.linear.scatter [tilespmem:s15], [sflag:$0xC], $0x4000, $0x38;
	[tilespmem:$0x1C400] =	vst v63  }
0x43: {  	_ =	swait.ge [sflag:s20], $0x4000  }
0x44: {  	[sflag:s20] =	ssyncset.done $0x0  }
0x45: {  	s1 =	rddreg [dreg:$0xa];
	[sflag:s20] =	ssyncadd.s32 $0xFFFFC000  }
0x46: {  	[hbm4b:s1+s2] =	stream.linear.scatter [tilespmem:s12], [sflag:$0xD], $0x4000, $0x38;
	[tilespmem:$0x1C400] =	vst v63  }
0x47: {  	_ =	swait.ge [sflag:s17], $0x4000  }
0x48: {  	[sflag:s17] =	ssyncset.done $0x0  }
0x49: {  	s1 =	rddreg [dreg:$0xb];
	[sflag:s17] =	ssyncadd.s32 $0xFFFFC000  }
0x4a: {  	[hbm4b:s1+s2] =	stream.linear.scatter [tilespmem:s10], [sflag:$0xE], $0x4000, $0x38;
	[tilespmem:$0x1C400] =	vst v63  }
0x4b: {  	_ =	swait.ge [sflag:s7], $0x4000  }
0x4c: {  	[sflag:s7] =	ssyncset.done $0x0  }
0x4d: {  	s1 =	rddreg [dreg:$0xc];
	[sflag:s7] =	ssyncadd.s32 $0xFFFFC000  }
0x4e: {  	[hbm4b:s1+s2] =	stream.linear.scatter [tilespmem:s5], [sflag:$0x8], $0x4000, $0x38;
	[tilespmem:$0x1C400] =	vst v63  }
0x4f: {  	_ =	swait.ge [sflag:s14], $0x4000  }
0x50: {  	[sflag:s14] =	ssyncset.done $0x0  }
0x51: {  	[sflag:s14] =	ssyncadd.s32 $0xFFFFC000  }
0x52: {  	_ =	swait.ge [sflag:s13], $0x4000  }
0x53: {  	[sflag:s13] =	ssyncset.done $0x0  }
0x54: {  	[sflag:s13] =	ssyncadd.s32 $0xFFFFC000  }
0x55: {  	_ =	swait.ge [sflag:s11], $0x4000  }
0x56: {  	[sflag:s11] =	ssyncset.done $0x0  }
0x57: {  	[sflag:s11] =	ssyncadd.s32 $0xFFFFC000  }
0x58: {  	_ =	swait.ge [sflag:s9], $0x4000  }
0x59: {  	[sflag:s9] =	ssyncset.done $0x0  }
0x5a: {  	[sflag:s9] =	ssyncadd.s32 $0xFFFFC000  }
0x5b: {  	_ =	swait.ge [sflag:s8], $0x4000  }
0x5c: {  	[sflag:s8] =	ssyncset.done $0x0  }
0x5d: {  	p1 =	sne.s32 s28, $0x1;
	[sflag:s8] =	ssyncadd.s32 $0xFFFFC000  }
.Ltmp1:
0x5e: {  	_ =	swait.ge [sflag:s6], $0x4000;
	(pc) =	sbr.rel @!p1 .LBB2_3-.Ltmp1, $4  }
0x5f: {  	[sflag:s6] =	ssyncset.done $0x0  }
0x60: {  	[sflag:s6] =	ssyncadd.s32 $0xFFFFC000  }
0x61: {  	p0 =	por $0x1, $0x1;
	_ =	swait.ge [sflag:s3], $0x4000  }
0x62: {  	s1 =	sadd.s32 $0xFFFFFFFF, s28;
	s0 =	rddreg [dreg:$0x4];
	[sflag:s3] =	ssyncset.done $0x0  }
.LBB2_4:
0x63: {  	[sflag:s3] =	ssyncadd.s32 $0xFFFFC000  }
0x64: {  	[tilespmem:s2], [sflag:$0xF] =	stream.linear.gather [hbm4b:s0+s2], $0x400, $0x38;
	[tilespmem:$0x1C400] =	vst v63  }
0x65: {  	_ =	swait.ge [sflag:s26], $0x400  }
0x66: {  	[sflag:s26] =	ssyncset.done $0x0  }
0x67: {  	[sflag:s26] =	ssyncadd.s32 $0xFFFFFC00  }
0x68: {  	[tilespmem:s5], [sflag:$0x1] =	stream.indirect.gather [hbm4b:s4+s21], $0x80, s2, s21, $0xb8;
	[tilespmem:$0x1C400] =	vst v63  }
0x69: {  	_ = 	snop  }
0x6a: {  	[tilespmem:s19], [sflag:$0x2] =	stream.indirect.gather [hbm4b:s4+s21], $0x80, s21, s21, $0xb8;
	[tilespmem:$0x1C400] =	vst v63  }
0x6b: {  	s0 =	rddreg [dreg:$0xd]  }
0x6c: {  	[tilespmem:s18], [sflag:$0x3] =	stream.indirect.gather [hbm4b:s4+s21], $0x80, s0, s21, $0xb8;
	[tilespmem:$0x1C400] =	vst v63  }
0x6d: {  	s28 =	rddreg [dreg:$0xe]  }
0x6e: {  	[tilespmem:s16], [sflag:$0x4] =	stream.indirect.gather [hbm4b:s4+s21], $0x80, s28, s21, $0xb8;
	[tilespmem:$0x1C400] =	vst v63  }
0x6f: {  	s28 =	simm.s32 $0x200  }
0x70: {  	[tilespmem:s15], [sflag:$0x5] =	stream.indirect.gather [hbm4b:s4+s21], $0x80, s28, s21, $0xb8;
	[tilespmem:$0x1C400] =	vst v63  }
0x71: {  	_ = 	snop  }
0x72: {  	[tilespmem:s12], [sflag:$0x6] =	stream.indirect.gather [hbm4b:s4+s21], $0x80, s31, s21, $0xb8;
	[tilespmem:$0x1C400] =	vst v63  }
0x73: {  	_ = 	snop  }
0x74: {  	[tilespmem:s10], [sflag:$0x7] =	stream.indirect.gather [hbm4b:s4+s21], $0x80, s30, s21, $0xb8;
	[tilespmem:$0x1C400] =	vst v63  }
0x75: {  	_ =	swait.ge [sflag:s7], $0x4000  }
0x76: {  	[sflag:s7] =	ssyncset.done $0x0  }
0x77: {  	s28 =	rddreg [dreg:$0x5];
	[sflag:s7] =	ssyncadd.s32 $0xFFFFC000  }
0x78: {  	[hbm4b:s28+s2] =	stream.linear.scatter [tilespmem:s5], [sflag:$0x8], $0x4000, $0x38;
	[tilespmem:$0x1C400] =	vst v63  }
0x79: {  	_ =	swait.ge [sflag:s3], $0x4000  }
0x7a: {  	[sflag:s3] =	ssyncset.done $0x0  }
0x7b: {  	[sflag:s3] =	ssyncadd.s32 $0xFFFFC000  }
0x7c: {  	[tilespmem:s5], [sflag:$0x1] =	stream.indirect.gather [hbm4b:s4+s21], $0x80, s29, s21, $0xb8;
	[tilespmem:$0x1C400] =	vst v63  }
0x7d: {  	_ =	swait.ge [sflag:s25], $0x4000  }
0x7e: {  	[sflag:s25] =	ssyncset.done $0x0  }
0x7f: {  	s28 =	rddreg [dreg:$0x6];
	[sflag:s25] =	ssyncadd.s32 $0xFFFFC000  }
0x80: {  	[hbm4b:s28+s2] =	stream.linear.scatter [tilespmem:s19], [sflag:$0x9], $0x4000, $0x38;
	[tilespmem:$0x1C400] =	vst v63  }
0x81: {  	_ =	swait.ge [sflag:s24], $0x4000  }
0x82: {  	[sflag:s24] =	ssyncset.done $0x0  }
0x83: {  	s28 =	rddreg [dreg:$0x7];
	[sflag:s24] =	ssyncadd.s32 $0xFFFFC000  }
0x84: {  	[hbm4b:s28+s2] =	stream.linear.scatter [tilespmem:s18], [sflag:$0xA], $0x4000, $0x38;
	[tilespmem:$0x1C400] =	vst v63  }
0x85: {  	_ =	swait.ge [sflag:s23], $0x4000  }
0x86: {  	[sflag:s23] =	ssyncset.done $0x0  }
0x87: {  	s28 =	rddreg [dreg:$0x8];
	[sflag:s23] =	ssyncadd.s32 $0xFFFFC000  }
0x88: {  	[hbm4b:s28+s2] =	stream.linear.scatter [tilespmem:s16], [sflag:$0xB], $0x4000, $0x38;
	[tilespmem:$0x1C400] =	vst v63  }
0x89: {  	_ =	swait.ge [sflag:s22], $0x4000  }
0x8a: {  	[sflag:s22] =	ssyncset.done $0x0  }
0x8b: {  	s28 =	rddreg [dreg:$0x9];
	[sflag:s22] =	ssyncadd.s32 $0xFFFFC000  }
0x8c: {  	[hbm4b:s28+s2] =	stream.linear.scatter [tilespmem:s15], [sflag:$0xC], $0x4000, $0x38;
	[tilespmem:$0x1C400] =	vst v63  }
0x8d: {  	_ =	swait.ge [sflag:s20], $0x4000  }
0x8e: {  	[sflag:s20] =	ssyncset.done $0x0  }
0x8f: {  	s28 =	rddreg [dreg:$0xa];
	[sflag:s20] =	ssyncadd.s32 $0xFFFFC000  }
0x90: {  	[hbm4b:s28+s2] =	stream.linear.scatter [tilespmem:s12], [sflag:$0xD], $0x4000, $0x38;
	[tilespmem:$0x1C400] =	vst v63  }
0x91: {  	_ =	swait.ge [sflag:s17], $0x4000  }
0x92: {  	[sflag:s17] =	ssyncset.done $0x0  }
0x93: {  	s28 =	rddreg [dreg:$0xb];
	[sflag:s17] =	ssyncadd.s32 $0xFFFFC000  }
0x94: {  	[hbm4b:s28+s2] =	stream.linear.scatter [tilespmem:s10], [sflag:$0xE], $0x4000, $0x38;
	[tilespmem:$0x1C400] =	vst v63  }
0x95: {  	_ =	swait.ge [sflag:s7], $0x4000  }
0x96: {  	[sflag:s7] =	ssyncset.done $0x0  }
0x97: {  	s28 =	rddreg [dreg:$0xc];
	[sflag:s7] =	ssyncadd.s32 $0xFFFFC000  }
0x98: {  	[hbm4b:s28+s2] =	stream.linear.scatter [tilespmem:s5], [sflag:$0x8], $0x4000, $0x38;
	[tilespmem:$0x1C400] =	vst v63  }
0x99: {  	_ =	swait.ge [sflag:s14], $0x4000  }
0x9a: {  	[sflag:s14] =	ssyncset.done $0x0  }
0x9b: {  	[sflag:s14] =	ssyncadd.s32 $0xFFFFC000  }
0x9c: {  	_ =	swait.ge [sflag:s13], $0x4000  }
0x9d: {  	[sflag:s13] =	ssyncset.done $0x0  }
0x9e: {  	[sflag:s13] =	ssyncadd.s32 $0xFFFFC000  }
0x9f: {  	_ =	swait.ge [sflag:s11], $0x4000  }
0xa0: {  	[sflag:s11] =	ssyncset.done $0x0  }
0xa1: {  	[sflag:s11] =	ssyncadd.s32 $0xFFFFC000  }
0xa2: {  	_ =	swait.ge [sflag:s9], $0x4000  }
0xa3: {  	[sflag:s9] =	ssyncset.done $0x0  }
0xa4: {  	[sflag:s9] =	ssyncadd.s32 $0xFFFFC000  }
0xa5: {  	_ =	swait.ge [sflag:s8], $0x4000  }
0xa6: {  	[sflag:s8] =	ssyncset.done $0x0  }
0xa7: {  	p1 =	sne.s32 s1, $0x1;
	[sflag:s8] =	ssyncadd.s32 $0xFFFFC000  }
.Ltmp2:
0xa8: {  	_ =	swait.ge [sflag:s6], $0x4000;
	(pc) =	sbr.rel @p1 .LBB2_4-.Ltmp2, $4  }
0xa9: {  	[sflag:s6] =	ssyncset.done $0x0  }
0xaa: {  	[sflag:s6] =	ssyncadd.s32 $0xFFFFC000  }
0xab: {  	_ =	swait.ge [sflag:s3], $0x4000  }
0xac: {  	s1 =	sadd.s32 $0xFFFFFFFF, s1;
	s0 =	rddreg [dreg:$0x4];
	[sflag:s3] =	ssyncset.done $0x0  }
0xad: {  	s28 =	simm.s32 $0x300  }
0xae: {  	s31 =	simm.s32 $0x280;
	s30 =	simm.s32 $0x200;
	s29 =	simm.s32 $0x380  }
.LBB2_6:
0xaf: {  	[sflag:s3] =	ssyncadd.s32 @p0 $0xFFFFC000  }
0xb0: {  	[tilespmem:s2], [sflag:$0xF] =	stream.linear.gather [hbm4b:s0+s2], $0x400, $0x38;
	[tilespmem:$0x1C400] =	vst v63  }
0xb1: {  	_ =	swait.ge [sflag:s26], $0x400  }
0xb2: {  	[sflag:s26] =	ssyncset.done $0x0  }
0xb3: {  	[sflag:s26] =	ssyncadd.s32 $0xFFFFFC00  }
0xb4: {  	[tilespmem:s5], [sflag:$0x1] =	stream.indirect.gather [hbm4b:s4+s21], $0x80, s2, s21, $0xb8;
	[tilespmem:$0x1C400] =	vst v63  }
0xb5: {  	_ = 	snop  }
0xb6: {  	[tilespmem:s19], [sflag:$0x2] =	stream.indirect.gather [hbm4b:s4+s21], $0x80, s21, s21, $0xb8;
	[tilespmem:$0x1C400] =	vst v63  }
0xb7: {  	s26 =	rddreg [dreg:$0xd]  }
0xb8: {  	[tilespmem:s18], [sflag:$0x3] =	stream.indirect.gather [hbm4b:s4+s21], $0x80, s26, s21, $0xb8;
	[tilespmem:$0x1C400] =	vst v63  }
0xb9: {  	s1 =	rddreg [dreg:$0xe]  }
0xba: {  	[tilespmem:s16], [sflag:$0x4] =	stream.indirect.gather [hbm4b:s4+s21], $0x80, s1, s21, $0xb8;
	[tilespmem:$0x1C400] =	vst v63  }
0xbb: {  	_ = 	snop  }
0xbc: {  	[tilespmem:s15], [sflag:$0x5] =	stream.indirect.gather [hbm4b:s4+s21], $0x80, s30, s21, $0xb8;
	[tilespmem:$0x1C400] =	vst v63  }
0xbd: {  	_ = 	snop  }
0xbe: {  	[tilespmem:s12], [sflag:$0x6] =	stream.indirect.gather [hbm4b:s4+s21], $0x80, s31, s21, $0xb8;
	[tilespmem:$0x1C400] =	vst v63  }
0xbf: {  	_ = 	snop  }
0xc0: {  	[tilespmem:s10], [sflag:$0x7] =	stream.indirect.gather [hbm4b:s4+s21], $0x80, s28, s21, $0xb8;
	[tilespmem:$0x1C400] =	vst v63  }
0xc1: {  	_ =	swait.ge [sflag:s7], $0x4000  }
0xc2: {  	[sflag:s7] =	ssyncset.done $0x0  }
0xc3: {  	s1 =	rddreg [dreg:$0x5];
	[sflag:s7] =	ssyncadd.s32 $0xFFFFC000  }
0xc4: {  	[hbm4b:s1+s2] =	stream.linear.scatter [tilespmem:s5], [sflag:$0x8], $0x4000, $0x38;
	[tilespmem:$0x1C400] =	vst v63  }
0xc5: {  	_ =	swait.ge [sflag:s3], $0x4000  }
0xc6: {  	[sflag:s3] =	ssyncset.done $0x0  }
0xc7: {  	[sflag:s3] =	ssyncadd.s32 $0xFFFFC000  }
0xc8: {  	[tilespmem:s5], [sflag:$0x1] =	stream.indirect.gather [hbm4b:s4+s21], $0x80, s29, s21, $0xb8;
	[tilespmem:$0x1C400] =	vst v63  }
0xc9: {  	_ =	swait.ge [sflag:s25], $0x4000  }
0xca: {  	[sflag:s25] =	ssyncset.done $0x0  }
0xcb: {  	s4 =	rddreg [dreg:$0x6];
	[sflag:s25] =	ssyncadd.s32 $0xFFFFC000  }
0xcc: {  	[hbm4b:s4+s2] =	stream.linear.scatter [tilespmem:s19], [sflag:$0x9], $0x4000, $0x38;
	[tilespmem:$0x1C400] =	vst v63  }
0xcd: {  	_ =	swait.ge [sflag:s24], $0x4000  }
0xce: {  	[sflag:s24] =	ssyncset.done $0x0  }
0xcf: {  	s21 =	rddreg [dreg:$0x7];
	[sflag:s24] =	ssyncadd.s32 $0xFFFFC000  }
0xd0: {  	[hbm4b:s21+s2] =	stream.linear.scatter [tilespmem:s18], [sflag:$0xA], $0x4000, $0x38;
	[tilespmem:$0x1C400] =	vst v63  }
0xd1: {  	_ =	swait.ge [sflag:s23], $0x4000  }
0xd2: {  	[sflag:s23] =	ssyncset.done $0x0  }
0xd3: {  	s25 =	rddreg [dreg:$0x8];
	[sflag:s23] =	ssyncadd.s32 $0xFFFFC000  }
0xd4: {  	[hbm4b:s25+s2] =	stream.linear.scatter [tilespmem:s16], [sflag:$0xB], $0x4000, $0x38;
	[tilespmem:$0x1C400] =	vst v63  }
0xd5: {  	_ =	swait.ge [sflag:s22], $0x4000  }
0xd6: {  	[sflag:s22] =	ssyncset.done $0x0  }
0xd7: {  	s26 =	rddreg [dreg:$0x9];
	[sflag:s22] =	ssyncadd.s32 $0xFFFFC000  }
0xd8: {  	[hbm4b:s26+s2] =	stream.linear.scatter [tilespmem:s15], [sflag:$0xC], $0x4000, $0x38;
	[tilespmem:$0x1C400] =	vst v63  }
0xd9: {  	_ =	swait.ge [sflag:s20], $0x4000  }
0xda: {  	[sflag:s20] =	ssyncset.done $0x0  }
0xdb: {  	s28 =	rddreg [dreg:$0xa];
	[sflag:s20] =	ssyncadd.s32 $0xFFFFC000  }
0xdc: {  	[hbm4b:s28+s2] =	stream.linear.scatter [tilespmem:s12], [sflag:$0xD], $0x4000, $0x38;
	[tilespmem:$0x1C400] =	vst v63  }
0xdd: {  	_ =	swait.ge [sflag:s17], $0x4000  }
0xde: {  	[sflag:s17] =	ssyncset.done $0x0  }
0xdf: {  	s29 =	rddreg [dreg:$0xb];
	[sflag:s17] =	ssyncadd.s32 $0xFFFFC000  }
0xe0: {  	[hbm4b:s29+s2] =	stream.linear.scatter [tilespmem:s10], [sflag:$0xE], $0x4000, $0x38;
	[tilespmem:$0x1C400] =	vst v63  }
0xe1: {  	_ =	swait.ge [sflag:s7], $0x4000  }
0xe2: {  	[sflag:s7] =	ssyncset.done $0x0  }
0xe3: {  	s30 =	rddreg [dreg:$0xc];
	[sflag:s7] =	ssyncadd.s32 $0xFFFFC000  }
0xe4: {  	[hbm4b:s30+s2] =	stream.linear.scatter [tilespmem:s5], [sflag:$0x8], $0x4000, $0x38;
	[tilespmem:$0x1C400] =	vst v63  }
0xe5: {  	_ =	swait.ge [sflag:s14], $0x4000  }
0xe6: {  	[sflag:s14] =	ssyncset.done $0x0  }
0xe7: {  	[sflag:s14] =	ssyncadd.s32 $0xFFFFC000  }
0xe8: {  	_ =	swait.ge [sflag:s13], $0x4000  }
0xe9: {  	[sflag:s13] =	ssyncset.done $0x0  }
0xea: {  	[sflag:s13] =	ssyncadd.s32 $0xFFFFC000  }
0xeb: {  	_ =	swait.ge [sflag:s11], $0x4000  }
0xec: {  	[sflag:s11] =	ssyncset.done $0x0  }
0xed: {  	[sflag:s11] =	ssyncadd.s32 $0xFFFFC000  }
0xee: {  	_ =	swait.ge [sflag:s9], $0x4000  }
0xef: {  	[sflag:s9] =	ssyncset.done $0x0  }
0xf0: {  	[sflag:s9] =	ssyncadd.s32 $0xFFFFC000  }
0xf1: {  	_ =	swait.ge [sflag:s8], $0x4000  }
0xf2: {  	[sflag:s8] =	ssyncset.done $0x0  }
0xf3: {  	[sflag:s8] =	ssyncadd.s32 $0xFFFFC000  }
0xf4: {  	_ =	swait.ge [sflag:s6], $0x4000  }
0xf5: {  	[sflag:s6] =	ssyncset.done $0x0  }
0xf6: {  	[sflag:s6] =	ssyncadd.s32 $0xFFFFC000  }
0xf7: {  	_ =	swait.ge [sflag:s3], $0x4000  }
0xf8: {  	[sflag:s3] =	ssyncset.done $0x0  }
0xf9: {  	[sflag:s3] =	ssyncadd.s32 $0xFFFFC000  }
0xfa: {  	_ =	sfence.sel $0x180000  }
0xfb: {  	[bflag:$0x0] =	sbarrier.arrive $0xFFFF  }
0xfc: {  	_ =	strace $0x90000047  }
0xfd: {  	s31 =	stileid.u32;
	[bflag:$0x2] =	sbarrier.arrive $0xFFFF  }
0xfe: {  	p0 =	sne.s32 s31, $0x0;
	s0 =	rddreg [dreg:$0x3]  }
0xff: {  	s0 =	sadd.s32 @!p0 $0x100000, s0  }
0x100: {  	[sflag:s0] =	ssyncadd.tile.s32 @!p0 $0x1;
	_ =	shalt  }
.LBB2_1:
.Ltmp3:
0x101: {  	(pc) =	sbr.rel .LBB2_6-.Ltmp3, $3  }
0x102: {  	_ =	sdelay $0x1  }
0x103: {  	s28 =	simm.s32 $0x300  }
0x104: {  	s31 =	simm.s32 $0x280;
	s30 =	simm.s32 $0x200;
	s29 =	simm.s32 $0x380  }
.LBB2_3:
.Ltmp4:
0x105: {  	(pc) =	sbr.rel .LBB2_6-.Ltmp4, $3  }
0x106: {  	_ =	sdelay $0x1  }
0x107: {  	s28 =	simm.s32 $0x300  }
0x108: {  	s31 =	simm.s32 $0x280;
	s30 =	simm.s32 $0x200;
	s29 =	simm.s32 $0x380  }
.Lfunc_end2:
_tile_overlayer_lowered:
.L_overlay_start_2:
0x109: {  	(tag) =	ssettag $0x2  }
0x10a: {  	s0 =	rddreg [dreg:$0x0];
	s2 =	stileid.u32  }
0x10b: {  	s1 =	rddreg [dreg:$0x1];
	p0 =	sne.s32 s2, $0x0  }
0x10c: {  	s3 =	rddreg [dreg:$0x2];
	[bflag:$0x3] =	sbarrier.arrive $0xFFFF;
	s2 =	simm.s32 @!p0 $0x1C0F  }
0x10d: {  	[timem:s3], [sflag:s2] =	dma.local @!p0 [hbm:s0], s1  }
0x10e: {  	s0 =	simm.s32 @!p0 $0xF  }
0x10f: {  	_ =	swait.ge @!p0 [sflag:s0], s1  }
0x110: {  	s1 =	ssub.s32 @!p0 $0x0, s1;
	[sflag:s0] =	ssyncset.done @!p0 $0x0  }
0x111: {  	[sflag:s0] =	ssyncadd.s32 @!p0 s1  }
0x112: {  	[bflag:$0x3] =	sbarrier.arrive $0xFFFF  }
0x113: {  	_ =	shalt  }

</sc_bundles>
